<compile_context>
chip_gen: v7x
topology: tpu7x:2x2x1
jax: 0.10.2.dev20260603
libtpu: 0.0.44.dev20260713+nightly
codegen_flags: <defaults>
</compile_context>

<pallas_src>
import functools

import jax
import jax.numpy as jnp
from jax import lax
from jax.experimental import pallas as pl
from jax.experimental.pallas import tpu as pltpu
from jax.experimental.pallas import tpu_sc as plsc

N_EDGES = 320000
D = 128
S = 10000
SP = 10240

NC = 2
NS = 16
NW = NC * NS
EPW = N_EDGES // NW
CH = 80
NCHUNK = EPW // CH
NBUF = 4
ZROWS = 32
SPT = SP // NS


def _sc_body(x_hbm, ids_hbm, part_hbm, idx_v, rows_v, zeros_v, acc_sh,
             s0, s1, s2, s3, zsem):
    sems = (s0, s1, s2, s3)
    c = lax.axis_index("c")
    s = lax.axis_index("s")
    wid = c * NS + s
    base = wid * EPW

    def start_load(i, b):
        off = base + i * CH
        pltpu.async_copy(ids_hbm.at[pl.ds(off, CH)], idx_v.at[b], sems[b])
        pltpu.async_copy(x_hbm.at[pl.ds(off, CH)], rows_v.at[b], sems[b])

    def wait_load(i, b):
        off = base + i * CH
        pltpu.make_async_copy(ids_hbm.at[pl.ds(off, CH)], idx_v.at[b],
                              sems[b]).wait()
        pltpu.make_async_copy(x_hbm.at[pl.ds(off, CH)], rows_v.at[b],
                              sems[b]).wait()

    for b in range(NBUF):
        start_load(b, b)

    def zero_store(k, _):
        i = k // (D // 16)
        j = k % (D // 16)
        zeros_v[i, pl.ds(j * 16, 16)] = jnp.zeros((16,), jnp.float32)
        return 0
    lax.fori_loop(0, ZROWS * (D // 16), zero_store, 0)

    def zero_start(r, _):
        pltpu.async_copy(zeros_v, acc_sh.at[pl.ds(s * SPT + r * ZROWS, ZROWS)],
                         zsem)
        return 0
    lax.fori_loop(0, SPT // ZROWS, zero_start, 0)

    def zero_wait(r, _):
        pltpu.make_async_copy(
            zeros_v, acc_sh.at[pl.ds(s * SPT + r * ZROWS, ZROWS)], zsem).wait()
        return 0
    lax.fori_loop(0, SPT // ZROWS, zero_wait, 0)

    def group(g, _):
        for b in range(NBUF):
            i = g * NBUF + b
            wait_load(i, b)
            pltpu.sync_copy(rows_v.at[b], acc_sh.at[idx_v.at[b]], add=True)
            ip = i + NBUF

            @pl.when(ip < NCHUNK)
            def _():
                start_load(ip, b)
        return 0
    lax.fori_loop(0, NCHUNK // NBUF, group, 0)

    for i in range((NCHUNK // NBUF) * NBUF, NCHUNK):
        b = i % NBUF
        wait_load(i, b)
        pltpu.sync_copy(rows_v.at[b], acc_sh.at[idx_v.at[b]], add=True)
    plsc.subcore_barrier()

    pltpu.sync_copy(acc_sh.at[pl.ds(s * SPT, SPT)],
                    part_hbm.at[c, pl.ds(s * SPT, SPT)])


@functools.cache
def _sc_call():
    return pl.kernel(
        _sc_body,
        out_type=jax.ShapeDtypeStruct((NC, SP, D), jnp.float32),
        mesh=plsc.VectorSubcoreMesh(core_axis_name="c", subcore_axis_name="s",
                                    num_cores=NC, num_subcores=NS),
        scratch_types=[
            pltpu.VMEM((NBUF, CH), jnp.int32),
            pltpu.VMEM((NBUF, CH, D), jnp.float32),
            pltpu.VMEM((ZROWS, D), jnp.float32),
            pltpu.VMEM_SHARED((SP, D), jnp.float32),
        ] + [pltpu.SemaphoreType.DMA] * (NBUF + 1),
    )


def _add_body(p_ref, o_ref):
    o_ref[...] = p_ref[0] + p_ref[1]


_ROWS_PER_BLK = 1000


def _combine(partials):
    return pl.pallas_call(
        _add_body,
        grid=(S // _ROWS_PER_BLK,),
        in_specs=[pl.BlockSpec((NC, _ROWS_PER_BLK, D), lambda i: (0, i, 0))],
        out_specs=pl.BlockSpec((_ROWS_PER_BLK, D), lambda i: (i, 0)),
        out_shape=jax.ShapeDtypeStruct((S, D), jnp.float32),
    )(partials)


def kernel(x, segment_ids):
    ids32 = segment_ids.astype(jnp.int32)
    partials = _sc_call()(x, ids32)
    return _combine(partials)

# --- scband reference (transcript-rebuilt; emitter-appended) ---
"""Pipeline reference for scband-segment-sum-20272245637569 (READ-ONLY COPY).

The authoritative reference and input builder live on the scoring server;
editing this copy changes nothing except your own understanding.
"""

import jax, jax.numpy as jnp
import numpy as np

N_EDGES = 320000
D_FEAT = 128
NUM_SEGMENTS = 10000


def setup_inputs(seed: int = 0) -> dict:
    key = jax.random.key(seed)
    k1, k2 = jax.random.split(key)
    x = jax.random.normal(k1, (N_EDGES, D_FEAT), dtype=jnp.float32)
    segment_ids = jnp.sort(
        jax.random.randint(k2, (N_EDGES,), 0, NUM_SEGMENTS, dtype=jnp.int64)
    )
    return {"x": x, "segment_ids": segment_ids}


def reference(x, segment_ids):
    # Faithful translation of tf.math.segment_sum(x, tf.reshape(index, [-1])).
    # segment_ids are sorted (required by tf.math.segment_sum); output has
    # NUM_SEGMENTS rows (= max(id)+1 with high probability at this scale).
    ids = jnp.reshape(segment_ids, (-1,))
    return jax.ops.segment_sum(x, ids, num_segments=NUM_SEGMENTS,
                               indices_are_sorted=True)

if __name__ == "__main__":
    import jax
    _d = setup_inputs()
    print(jax.jit(kernel)(*tuple(_d.values())))

</pallas_src>

<mosaic_0001>
#map = affine_map<(d0, d1) -> (0, 0)>
#map1 = affine_map<(d0, d1) -> (0)>
#map2 = affine_map<(d0, d1) -> (0, 0, 0)>
module attributes {stable_mosaic.version = 14 : i64} {
  func.func @_sc_body(%arg0: i32, %arg1: i32, %arg2: memref<320000x128xf32, #tpu.memory_space<hbm>>, %arg3: memref<320000xi32, #tpu.memory_space<hbm>>, %arg4: memref<2x10240x128xf32, #tpu.memory_space<hbm>>, %arg5: memref<4x80xi32, #tpu.memory_space<vmem>>, %arg6: memref<4x80x128xf32, #tpu.memory_space<vmem>>, %arg7: memref<32x128xf32, #tpu.memory_space<vmem>>, %arg8: memref<10240x128xf32, #tpu.memory_space<vmem_shared>>, %arg9: memref<!tpu.dma_semaphore, #tpu.memory_space<semaphore_mem>>, %arg10: memref<!tpu.dma_semaphore, #tpu.memory_space<semaphore_mem>>, %arg11: memref<!tpu.dma_semaphore, #tpu.memory_space<semaphore_mem>>, %arg12: memref<!tpu.dma_semaphore, #tpu.memory_space<semaphore_mem>>, %arg13: memref<!tpu.dma_semaphore, #tpu.memory_space<semaphore_mem>>) attributes {dimension_semantics = [#tpu.dimension_semantics<core_parallel>, #tpu.dimension_semantics<subcore_parallel>], iteration_bounds = array<i64: 2, 16>, scalar_prefetch = 0 : i64, scratch_operands = 9 : i64, tpu.core_type = #tpu.core_type<sc_vector_subcore>, window_params = [{transform_indices = #map}, {transform_indices = #map1}, {transform_indices = #map2}]} {
    %mul3A = arith.constant 16 : i32
    %mul3A_0 = arith.muli %arg0, %mul3A : i32
    %add3A = arith.addi %mul3A_0, %arg1 : i32
    %mul3A_1 = arith.constant 10000 : i32
    %mul3A_2 = arith.muli %add3A, %mul3A_1 : i32
    %add3A_3 = arith.constant 0 : i32
    %add3A_4 = arith.addi %mul3A_2, %add3A_3 : i32
    %dma_start3A = arith.constant 0 : i32
    %dma_start3A_5 = arith.constant 0 : i32
    %dma_start3A_6 = tpu.memref_slice %arg5[%dma_start3A, %dma_start3A_5] : memref<4x80xi32, #tpu.memory_space<vmem>> -> memref<1x80xi32, #tpu.memory_space<vmem>>
    %dma_start3A_7 = tpu.memref_squeeze %dma_start3A_6 : memref<1x80xi32, #tpu.memory_space<vmem>> -> memref<80xi32, #tpu.memory_space<vmem>>
    %dma_start3A_8 = tpu.memref_slice %arg3[%add3A_4] : memref<320000xi32, #tpu.memory_space<hbm>> -> memref<80xi32, #tpu.memory_space<hbm>>
    %dma_start3A_9 = arith.constant 0 : i32
    %dma_start3A_10 = tpu.memref_slice %arg5[%dma_start3A, %dma_start3A_9] : memref<4x80xi32, #tpu.memory_space<vmem>> -> memref<1x80xi32, #tpu.memory_space<vmem>>
    %dma_start3A_11 = tpu.memref_squeeze %dma_start3A_10 : memref<1x80xi32, #tpu.memory_space<vmem>> -> memref<80xi32, #tpu.memory_space<vmem>>
    %dma_start3A_12 = tpu.memref_slice %arg3[%add3A_4] : memref<320000xi32, #tpu.memory_space<hbm>> -> memref<80xi32, #tpu.memory_space<hbm>>
    tpu.enqueue_dma source(%dma_start3A_12 : memref<80xi32, #tpu.memory_space<hbm>>) target(%dma_start3A_11 : memref<80xi32, #tpu.memory_space<vmem>>) target_semaphore(%arg9 : memref<!tpu.dma_semaphore, #tpu.memory_space<semaphore_mem>>)
    %dma_start3A_13 = arith.constant 0 : i32
    %dma_start3A_14 = arith.constant 0 : i32
    %dma_start3A_15 = arith.constant 0 : i32
    %dma_start3A_16 = tpu.memref_slice %arg6[%dma_start3A_13, %dma_start3A_14, %dma_start3A_15] : memref<4x80x128xf32, #tpu.memory_space<vmem>> -> memref<1x80x128xf32, #tpu.memory_space<vmem>>
    %dma_start3A_17 = tpu.memref_squeeze %dma_start3A_16 : memref<1x80x128xf32, #tpu.memory_space<vmem>> -> memref<80x128xf32, #tpu.memory_space<vmem>>
    %dma_start3A_18 = arith.constant 0 : i32
    %dma_start3A_19 = tpu.memref_slice %arg2[%add3A_4, %dma_start3A_18] : memref<320000x128xf32, #tpu.memory_space<hbm>> -> memref<80x128xf32, #tpu.memory_space<hbm>>
    %dma_start3A_20 = arith.constant 0 : i32
    %dma_start3A_21 = arith.constant 0 : i32
    %dma_start3A_22 = tpu.memref_slice %arg6[%dma_start3A_13, %dma_start3A_20, %dma_start3A_21] : memref<4x80x128xf32, #tpu.memory_space<vmem>> -> memref<1x80x128xf32, #tpu.memory_space<vmem>>
    %dma_start3A_23 = tpu.memref_squeeze %dma_start3A_22 : memref<1x80x128xf32, #tpu.memory_space<vmem>> -> memref<80x128xf32, #tpu.memory_space<vmem>>
    %dma_start3A_24 = arith.constant 0 : i32
    %dma_start3A_25 = tpu.memref_slice %arg2[%add3A_4, %dma_start3A_24] : memref<320000x128xf32, #tpu.memory_space<hbm>> -> memref<80x128xf32, #tpu.memory_space<hbm>>
    tpu.enqueue_dma source(%dma_start3A_25 : memref<80x128xf32, #tpu.memory_space<hbm>>) target(%dma_start3A_23 : memref<80x128xf32, #tpu.memory_space<vmem>>) target_semaphore(%arg9 : memref<!tpu.dma_semaphore, #tpu.memory_space<semaphore_mem>>)
    %add3A_26 = arith.constant 80 : i32
    %add3A_27 = arith.addi %mul3A_2, %add3A_26 : i32
    %dma_start3A_28 = arith.constant 1 : i32
    %dma_start3A_29 = arith.constant 0 : i32
    %dma_start3A_30 = tpu.memref_slice %arg5[%dma_start3A_28, %dma_start3A_29] : memref<4x80xi32, #tpu.memory_space<vmem>> -> memref<1x80xi32, #tpu.memory_space<vmem>>
    %dma_start3A_31 = tpu.memref_squeeze %dma_start3A_30 : memref<1x80xi32, #tpu.memory_space<vmem>> -> memref<80xi32, #tpu.memory_space<vmem>>
    %dma_start3A_32 = tpu.memref_slice %arg3[%add3A_27] : memref<320000xi32, #tpu.memory_space<hbm>> -> memref<80xi32, #tpu.memory_space<hbm>>
    %dma_start3A_33 = arith.constant 0 : i32
    %dma_start3A_34 = tpu.memref_slice %arg5[%dma_start3A_28, %dma_start3A_33] : memref<4x80xi32, #tpu.memory_space<vmem>> -> memref<1x80xi32, #tpu.memory_space<vmem>>
    %dma_start3A_35 = tpu.memref_squeeze %dma_start3A_34 : memref<1x80xi32, #tpu.memory_space<vmem>> -> memref<80xi32, #tpu.memory_space<vmem>>
    %dma_start3A_36 = tpu.memref_slice %arg3[%add3A_27] : memref<320000xi32, #tpu.memory_space<hbm>> -> memref<80xi32, #tpu.memory_space<hbm>>
    tpu.enqueue_dma source(%dma_start3A_36 : memref<80xi32, #tpu.memory_space<hbm>>) target(%dma_start3A_35 : memref<80xi32, #tpu.memory_space<vmem>>) target_semaphore(%arg10 : memref<!tpu.dma_semaphore, #tpu.memory_space<semaphore_mem>>)
    %dma_start3A_37 = arith.constant 1 : i32
    %dma_start3A_38 = arith.constant 0 : i32
    %dma_start3A_39 = arith.constant 0 : i32
    %dma_start3A_40 = tpu.memref_slice %arg6[%dma_start3A_37, %dma_start3A_38, %dma_start3A_39] : memref<4x80x128xf32, #tpu.memory_space<vmem>> -> memref<1x80x128xf32, #tpu.memory_space<vmem>>
    %dma_start3A_41 = tpu.memref_squeeze %dma_start3A_40 : memref<1x80x128xf32, #tpu.memory_space<vmem>> -> memref<80x128xf32, #tpu.memory_space<vmem>>
    %dma_start3A_42 = arith.constant 0 : i32
    %dma_start3A_43 = tpu.memref_slice %arg2[%add3A_27, %dma_start3A_42] : memref<320000x128xf32, #tpu.memory_space<hbm>> -> memref<80x128xf32, #tpu.memory_space<hbm>>
    %dma_start3A_44 = arith.constant 0 : i32
    %dma_start3A_45 = arith.constant 0 : i32
    %dma_start3A_46 = tpu.memref_slice %arg6[%dma_start3A_37, %dma_start3A_44, %dma_start3A_45] : memref<4x80x128xf32, #tpu.memory_space<vmem>> -> memref<1x80x128xf32, #tpu.memory_space<vmem>>
    %dma_start3A_47 = tpu.memref_squeeze %dma_start3A_46 : memref<1x80x128xf32, #tpu.memory_space<vmem>> -> memref<80x128xf32, #tpu.memory_space<vmem>>
    %dma_start3A_48 = arith.constant 0 : i32
    %dma_start3A_49 = tpu.memref_slice %arg2[%add3A_27, %dma_start3A_48] : memref<320000x128xf32, #tpu.memory_space<hbm>> -> memref<80x128xf32, #tpu.memory_space<hbm>>
    tpu.enqueue_dma source(%dma_start3A_49 : memref<80x128xf32, #tpu.memory_space<hbm>>) target(%dma_start3A_47 : memref<80x128xf32, #tpu.memory_space<vmem>>) target_semaphore(%arg10 : memref<!tpu.dma_semaphore, #tpu.memory_space<semaphore_mem>>)
    %add3A_50 = arith.constant 160 : i32
    %add3A_51 = arith.addi %mul3A_2, %add3A_50 : i32
    %dma_start3A_52 = arith.constant 2 : i32
    %dma_start3A_53 = arith.constant 0 : i32
    %dma_start3A_54 = tpu.memref_slice %arg5[%dma_start3A_52, %dma_start3A_53] : memref<4x80xi32, #tpu.memory_space<vmem>> -> memref<1x80xi32, #tpu.memory_space<vmem>>
    %dma_start3A_55 = tpu.memref_squeeze %dma_start3A_54 : memref<1x80xi32, #tpu.memory_space<vmem>> -> memref<80xi32, #tpu.memory_space<vmem>>
    %dma_start3A_56 = tpu.memref_slice %arg3[%add3A_51] : memref<320000xi32, #tpu.memory_space<hbm>> -> memref<80xi32, #tpu.memory_space<hbm>>
    %dma_start3A_57 = arith.constant 0 : i32
    %dma_start3A_58 = tpu.memref_slice %arg5[%dma_start3A_52, %dma_start3A_57] : memref<4x80xi32, #tpu.memory_space<vmem>> -> memref<1x80xi32, #tpu.memory_space<vmem>>
    %dma_start3A_59 = tpu.memref_squeeze %dma_start3A_58 : memref<1x80xi32, #tpu.memory_space<vmem>> -> memref<80xi32, #tpu.memory_space<vmem>>
    %dma_start3A_60 = tpu.memref_slice %arg3[%add3A_51] : memref<320000xi32, #tpu.memory_space<hbm>> -> memref<80xi32, #tpu.memory_space<hbm>>
    tpu.enqueue_dma source(%dma_start3A_60 : memref<80xi32, #tpu.memory_space<hbm>>) target(%dma_start3A_59 : memref<80xi32, #tpu.memory_space<vmem>>) target_semaphore(%arg11 : memref<!tpu.dma_semaphore, #tpu.memory_space<semaphore_mem>>)
    %dma_start3A_61 = arith.constant 2 : i32
    %dma_start3A_62 = arith.constant 0 : i32
    %dma_start3A_63 = arith.constant 0 : i32
    %dma_start3A_64 = tpu.memref_slice %arg6[%dma_start3A_61, %dma_start3A_62, %dma_start3A_63] : memref<4x80x128xf32, #tpu.memory_space<vmem>> -> memref<1x80x128xf32, #tpu.memory_space<vmem>>
    %dma_start3A_65 = tpu.memref_squeeze %dma_start3A_64 : memref<1x80x128xf32, #tpu.memory_space<vmem>> -> memref<80x128xf32, #tpu.memory_space<vmem>>
    %dma_start3A_66 = arith.constant 0 : i32
    %dma_start3A_67 = tpu.memref_slice %arg2[%add3A_51, %dma_start3A_66] : memref<320000x128xf32, #tpu.memory_space<hbm>> -> memref<80x128xf32, #tpu.memory_space<hbm>>
    %dma_start3A_68 = arith.constant 0 : i32
    %dma_start3A_69 = arith.constant 0 : i32
    %dma_start3A_70 = tpu.memref_slice %arg6[%dma_start3A_61, %dma_start3A_68, %dma_start3A_69] : memref<4x80x128xf32, #tpu.memory_space<vmem>> -> memref<1x80x128xf32, #tpu.memory_space<vmem>>
    %dma_start3A_71 = tpu.memref_squeeze %dma_start3A_70 : memref<1x80x128xf32, #tpu.memory_space<vmem>> -> memref<80x128xf32, #tpu.memory_space<vmem>>
    %dma_start3A_72 = arith.constant 0 : i32
    %dma_start3A_73 = tpu.memref_slice %arg2[%add3A_51, %dma_start3A_72] : memref<320000x128xf32, #tpu.memory_space<hbm>> -> memref<80x128xf32, #tpu.memory_space<hbm>>
    tpu.enqueue_dma source(%dma_start3A_73 : memref<80x128xf32, #tpu.memory_space<hbm>>) target(%dma_start3A_71 : memref<80x128xf32, #tpu.memory_space<vmem>>) target_semaphore(%arg11 : memref<!tpu.dma_semaphore, #tpu.memory_space<semaphore_mem>>)
    %add3A_74 = arith.constant 240 : i32
    %add3A_75 = arith.addi %mul3A_2, %add3A_74 : i32
    %dma_start3A_76 = arith.constant 3 : i32
    %dma_start3A_77 = arith.constant 0 : i32
    %dma_start3A_78 = tpu.memref_slice %arg5[%dma_start3A_76, %dma_start3A_77] : memref<4x80xi32, #tpu.memory_space<vmem>> -> memref<1x80xi32, #tpu.memory_space<vmem>>
    %dma_start3A_79 = tpu.memref_squeeze %dma_start3A_78 : memref<1x80xi32, #tpu.memory_space<vmem>> -> memref<80xi32, #tpu.memory_space<vmem>>
    %dma_start3A_80 = tpu.memref_slice %arg3[%add3A_75] : memref<320000xi32, #tpu.memory_space<hbm>> -> memref<80xi32, #tpu.memory_space<hbm>>
    %dma_start3A_81 = arith.constant 0 : i32
    %dma_start3A_82 = tpu.memref_slice %arg5[%dma_start3A_76, %dma_start3A_81] : memref<4x80xi32, #tpu.memory_space<vmem>> -> memref<1x80xi32, #tpu.memory_space<vmem>>
    %dma_start3A_83 = tpu.memref_squeeze %dma_start3A_82 : memref<1x80xi32, #tpu.memory_space<vmem>> -> memref<80xi32, #tpu.memory_space<vmem>>
    %dma_start3A_84 = tpu.memref_slice %arg3[%add3A_75] : memref<320000xi32, #tpu.memory_space<hbm>> -> memref<80xi32, #tpu.memory_space<hbm>>
    tpu.enqueue_dma source(%dma_start3A_84 : memref<80xi32, #tpu.memory_space<hbm>>) target(%dma_start3A_83 : memref<80xi32, #tpu.memory_space<vmem>>) target_semaphore(%arg12 : memref<!tpu.dma_semaphore, #tpu.memory_space<semaphore_mem>>)
    %dma_start3A_85 = arith.constant 3 : i32
    %dma_start3A_86 = arith.constant 0 : i32
    %dma_start3A_87 = arith.constant 0 : i32
    %dma_start3A_88 = tpu.memref_slice %arg6[%dma_start3A_85, %dma_start3A_86, %dma_start3A_87] : memref<4x80x128xf32, #tpu.memory_space<vmem>> -> memref<1x80x128xf32, #tpu.memory_space<vmem>>
    %dma_start3A_89 = tpu.memref_squeeze %dma_start3A_88 : memref<1x80x128xf32, #tpu.memory_space<vmem>> -> memref<80x128xf32, #tpu.memory_space<vmem>>
    %dma_start3A_90 = arith.constant 0 : i32
    %dma_start3A_91 = tpu.memref_slice %arg2[%add3A_75, %dma_start3A_90] : memref<320000x128xf32, #tpu.memory_space<hbm>> -> memref<80x128xf32, #tpu.memory_space<hbm>>
    %dma_start3A_92 = arith.constant 0 : i32
    %dma_start3A_93 = arith.constant 0 : i32
    %dma_start3A_94 = tpu.memref_slice %arg6[%dma_start3A_85, %dma_start3A_92, %dma_start3A_93] : memref<4x80x128xf32, #tpu.memory_space<vmem>> -> memref<1x80x128xf32, #tpu.memory_space<vmem>>
    %dma_start3A_95 = tpu.memref_squeeze %dma_start3A_94 : memref<1x80x128xf32, #tpu.memory_space<vmem>> -> memref<80x128xf32, #tpu.memory_space<vmem>>
    %dma_start3A_96 = arith.constant 0 : i32
    %dma_start3A_97 = tpu.memref_slice %arg2[%add3A_75, %dma_start3A_96] : memref<320000x128xf32, #tpu.memory_space<hbm>> -> memref<80x128xf32, #tpu.memory_space<hbm>>
    tpu.enqueue_dma source(%dma_start3A_97 : memref<80x128xf32, #tpu.memory_space<hbm>>) target(%dma_start3A_95 : memref<80x128xf32, #tpu.memory_space<vmem>>) target_semaphore(%arg12 : memref<!tpu.dma_semaphore, #tpu.memory_space<semaphore_mem>>)
    %scan3A = arith.constant 0 : i32
    %scan3A_98 = arith.constant 0 : i32
    %scan3A_99 = arith.constant 256 : i32
    %scan3A_100 = arith.addi %scan3A_98, %scan3A_99 : i32
    %scan3A_101 = arith.constant 1 : i32
    %scan3A_102 = scf.for %scan3A_153 = %scan3A_98 to %scan3A_100 step %scan3A_101 iter_args(%scan3A_154 = %scan3A) -> (i32)  : i32 {
      %jit3A = arith.constant 8 : i32
      %div3A = arith.divsi %scan3A_153, %jit3A : i32
      %sign3A = arith.constant 0 : i32
      %sign3A_155 = arith.cmpi sgt, %scan3A_153, %sign3A : i32
      %sign3A_156 = arith.extui %sign3A_155 : i1 to i32
      %sign3A_157 = arith.constant 0 : i32
      %sign3A_158 = arith.cmpi slt, %scan3A_153, %sign3A_157 : i32
      %sign3A_159 = arith.extui %sign3A_158 : i1 to i32
      %sign3A_160 = arith.subi %sign3A_156, %sign3A_159 : i32
      %sign3A_161 = arith.constant 0 : i32
      %sign3A_162 = arith.cmpi sgt, %jit3A, %sign3A_161 : i32
      %sign3A_163 = arith.extui %sign3A_162 : i1 to i32
      %sign3A_164 = arith.constant 0 : i32
      %sign3A_165 = arith.cmpi slt, %jit3A, %sign3A_164 : i32
      %sign3A_166 = arith.extui %sign3A_165 : i1 to i32
      %sign3A_167 = arith.subi %sign3A_163, %sign3A_166 : i32
      %ne3A = arith.cmpi ne, %sign3A_160, %sign3A_167 : i32
      %rem3A = arith.remsi %scan3A_153, %jit3A : i32
      %ne3A_168 = arith.constant 0 : i32
      %ne3A_169 = arith.cmpi ne, %rem3A, %ne3A_168 : i32
      %and3A = arith.andi %ne3A, %ne3A_169 : i1
      %sub3A = arith.constant 1 : i32
      %sub3A_170 = arith.subi %div3A, %sub3A : i32
      %select_n3A = arith.select %and3A, %sub3A_170, %div3A : i32
      %jit3A_171 = arith.constant 8 : i32
      %eq3A = arith.constant 0 : i32
      %eq3A_172 = arith.cmpi eq, %jit3A_171, %eq3A : i32
      %jit3A_173 = arith.constant 1 : i32
      %select_n3A_174 = arith.select %eq3A_172, %jit3A_173, %jit3A_171 : i32
      %rem3A_175 = arith.remsi %scan3A_153, %select_n3A_174 : i32
      %ne3A_176 = arith.constant 0 : i32
      %ne3A_177 = arith.cmpi ne, %rem3A_175, %ne3A_176 : i32
      %lt3A = arith.constant 0 : i32
      %lt3A_178 = arith.cmpi slt, %rem3A_175, %lt3A : i32
      %lt3A_179 = arith.constant 0 : i32
      %lt3A_180 = arith.cmpi slt, %select_n3A_174, %lt3A_179 : i32
      %ne3A_181 = arith.xori %lt3A_178, %lt3A_180 : i1
      %and3A_182 = arith.andi %ne3A_181, %ne3A_177 : i1
      %add3A_183 = arith.addi %rem3A_175, %select_n3A_174 : i32
      %select_n3A_184 = arith.select %and3A_182, %add3A_183, %rem3A_175 : i32
      %broadcast_in_dim3A = arith.constant 0.000000e+00 : f32
      %broadcast_in_dim3A_185 = vector.broadcast %broadcast_in_dim3A : f32 to vector<16xf32>
      %mul3A_186 = arith.constant 16 : i32
      %mul3A_187 = arith.muli %select_n3A_184, %mul3A_186 : i32
      %swap3A = arith.index_cast %select_n3A : i32 to index
      %swap3A_188 = arith.index_cast %mul3A_187 : i32 to index
      %swap3A_189 = tpu.vector_load %arg7[%swap3A, %swap3A_188] {strides = array<i32>} : memref<32x128xf32, #tpu.memory_space<vmem>>, vector<1x16xf32>,
      %swap3A_190 = vector.shape_cast %swap3A_189 : vector<1x16xf32> to vector<16xf32>
      %swap3A_191 = vector.shape_cast %broadcast_in_dim3A_185 : vector<16xf32> to vector<1x16xf32>
      tpu.vector_store %arg7[%swap3A, %swap3A_188], %swap3A_191 {strides = array<i32>} : memref<32x128xf32, #tpu.memory_space<vmem>>, vector<1x16xf32>,
      %scan3A_192 = arith.constant 0 : i32
      scf.yield %scan3A_192 : i32
    }
    %scan3A_103 = arith.constant 256 : i32
    %scan3A_104 = arith.constant 0 : i32
    %scan3A_105 = arith.constant 0 : i32
    %scan3A_106 = arith.constant 20 : i32
    %scan3A_107 = arith.addi %scan3A_105, %scan3A_106 : i32
    %scan3A_108 = arith.constant 1 : i32
    %scan3A_109 = scf.for %scan3A_153 = %scan3A_105 to %scan3A_107 step %scan3A_108 iter_args(%scan3A_154 = %scan3A_104) -> (i32)  : i32 {
      %mul3A_155 = arith.constant 640 : i32
      %mul3A_156 = arith.muli %arg1, %mul3A_155 : i32
      %mul3A_157 = arith.constant 32 : i32
      %mul3A_158 = arith.muli %scan3A_153, %mul3A_157 : i32
      %add3A_159 = arith.addi %mul3A_156, %mul3A_158 : i32
      %dma_start3A_160 = arith.constant 0 : i32
      %dma_start3A_161 = tpu.memref_slice %arg8[%add3A_159, %dma_start3A_160] : memref<10240x128xf32, #tpu.memory_space<vmem_shared>> -> memref<32x128xf32, #tpu.memory_space<vmem_shared>>
      %dma_start3A_162 = arith.constant 0 : i32
      %dma_start3A_163 = tpu.memref_slice %arg8[%add3A_159, %dma_start3A_162] : memref<10240x128xf32, #tpu.memory_space<vmem_shared>> -> memref<32x128xf32, #tpu.memory_space<vmem_shared>>
      tpu.enqueue_dma source(%arg7 : memref<32x128xf32, #tpu.memory_space<vmem>>) target(%dma_start3A_163 : memref<32x128xf32, #tpu.memory_space<vmem_shared>>) target_semaphore(%arg13 : memref<!tpu.dma_semaphore, #tpu.memory_space<semaphore_mem>>)
      %scan3A_164 = arith.constant 0 : i32
      scf.yield %scan3A_164 : i32
    }
    %scan3A_110 = arith.constant 20 : i32
    %scan3A_111 = arith.constant 0 : i32
    %scan3A_112 = arith.constant 0 : i32
    %scan3A_113 = arith.constant 20 : i32
    %scan3A_114 = arith.addi %scan3A_112, %scan3A_113 : i32
    %scan3A_115 = arith.constant 1 : i32
    %scan3A_116 = scf.for %scan3A_153 = %scan3A_112 to %scan3A_114 step %scan3A_115 iter_args(%scan3A_154 = %scan3A_111) -> (i32)  : i32 {
      %mul3A_155 = arith.constant 640 : i32
      %mul3A_156 = arith.muli %arg1, %mul3A_155 : i32
      %mul3A_157 = arith.constant 32 : i32
      %mul3A_158 = arith.muli %scan3A_153, %mul3A_157 : i32
      %add3A_159 = arith.addi %mul3A_156, %mul3A_158 : i32
      %dma_wait3A_160 = arith.constant 0 : i32
      %dma_wait3A_161 = tpu.memref_slice %arg8[%add3A_159, %dma_wait3A_160] : memref<10240x128xf32, #tpu.memory_space<vmem_shared>> -> memref<32x128xf32, #tpu.memory_space<vmem_shared>>
      %dma_wait3A_162 = arith.constant 0 : i32
      %dma_wait3A_163 = tpu.memref_slice %arg8[%add3A_159, %dma_wait3A_162] : memref<10240x128xf32, #tpu.memory_space<vmem_shared>> -> memref<32x128xf32, #tpu.memory_space<vmem_shared>>
      tpu.wait_dma2 semaphore(%arg13 : memref<!tpu.dma_semaphore, #tpu.memory_space<semaphore_mem>>) src(%arg7 : memref<32x128xf32, #tpu.memory_space<vmem>>) dst(%dma_wait3A_163 : memref<32x128xf32, #tpu.memory_space<vmem_shared>>)
      %scan3A_164 = arith.constant 0 : i32
      scf.yield %scan3A_164 : i32
    }
    %scan3A_117 = arith.constant 20 : i32
    %scan3A_118 = arith.constant 0 : i32
    %scan3A_119 = arith.constant 0 : i32
    %scan3A_120 = arith.constant 31 : i32
    %scan3A_121 = arith.addi %scan3A_119, %scan3A_120 : i32
    %scan3A_122 = arith.constant 1 : i32
    %scan3A_123 = scf.for %scan3A_153 = %scan3A_119 to %scan3A_121 step %scan3A_122 iter_args(%scan3A_154 = %scan3A_118) -> (i32)  : i32 {
      %mul3A_155 = arith.constant 4 : i32
      %mul3A_156 = arith.muli %scan3A_153, %mul3A_155 : i32
      %add3A_157 = arith.constant 0 : i32
      %add3A_158 = arith.addi %mul3A_156, %add3A_157 : i32
      %mul3A_159 = arith.constant 80 : i32
      %mul3A_160 = arith.muli %add3A_158, %mul3A_159 : i32
      %add3A_161 = arith.addi %mul3A_2, %mul3A_160 : i32
      %dma_wait3A_162 = arith.constant 0 : i32
      %dma_wait3A_163 = arith.constant 0 : i32
      %dma_wait3A_164 = tpu.memref_slice %arg5[%dma_wait3A_162, %dma_wait3A_163] : memref<4x80xi32, #tpu.memory_space<vmem>> -> memref<1x80xi32, #tpu.memory_space<vmem>>
      %dma_wait3A_165 = tpu.memref_squeeze %dma_wait3A_164 : memref<1x80xi32, #tpu.memory_space<vmem>> -> memref<80xi32, #tpu.memory_space<vmem>>
      %dma_wait3A_166 = tpu.memref_slice %arg3[%add3A_161] : memref<320000xi32, #tpu.memory_space<hbm>> -> memref<80xi32, #tpu.memory_space<hbm>>
      %dma_wait3A_167 = arith.constant 0 : i32
      %dma_wait3A_168 = tpu.memref_slice %arg5[%dma_wait3A_162, %dma_wait3A_167] : memref<4x80xi32, #tpu.memory_space<vmem>> -> memref<1x80xi32, #tpu.memory_space<vmem>>
      %dma_wait3A_169 = tpu.memref_squeeze %dma_wait3A_168 : memref<1x80xi32, #tpu.memory_space<vmem>> -> memref<80xi32, #tpu.memory_space<vmem>>
      %dma_wait3A_170 = tpu.memref_slice %arg3[%add3A_161] : memref<320000xi32, #tpu.memory_space<hbm>> -> memref<80xi32, #tpu.memory_space<hbm>>
      tpu.wait_dma2 semaphore(%arg9 : memref<!tpu.dma_semaphore, #tpu.memory_space<semaphore_mem>>) src(%dma_wait3A_170 : memref<80xi32, #tpu.memory_space<hbm>>) dst(%dma_wait3A_169 : memref<80xi32, #tpu.memory_space<vmem>>)
      %dma_wait3A_171 = arith.constant 0 : i32
      %dma_wait3A_172 = arith.constant 0 : i32
      %dma_wait3A_173 = arith.constant 0 : i32
      %dma_wait3A_174 = tpu.memref_slice %arg6[%dma_wait3A_171, %dma_wait3A_172, %dma_wait3A_173] : memref<4x80x128xf32, #tpu.memory_space<vmem>> -> memref<1x80x128xf32, #tpu.memory_space<vmem>>
      %dma_wait3A_175 = tpu.memref_squeeze %dma_wait3A_174 : memref<1x80x128xf32, #tpu.memory_space<vmem>> -> memref<80x128xf32, #tpu.memory_space<vmem>>
      %dma_wait3A_176 = arith.constant 0 : i32
      %dma_wait3A_177 = tpu.memref_slice %arg2[%add3A_161, %dma_wait3A_176] : memref<320000x128xf32, #tpu.memory_space<hbm>> -> memref<80x128xf32, #tpu.memory_space<hbm>>
      %dma_wait3A_178 = arith.constant 0 : i32
      %dma_wait3A_179 = arith.constant 0 : i32
      %dma_wait3A_180 = tpu.memref_slice %arg6[%dma_wait3A_171, %dma_wait3A_178, %dma_wait3A_179] : memref<4x80x128xf32, #tpu.memory_space<vmem>> -> memref<1x80x128xf32, #tpu.memory_space<vmem>>
      %dma_wait3A_181 = tpu.memref_squeeze %dma_wait3A_180 : memref<1x80x128xf32, #tpu.memory_space<vmem>> -> memref<80x128xf32, #tpu.memory_space<vmem>>
      %dma_wait3A_182 = arith.constant 0 : i32
      %dma_wait3A_183 = tpu.memref_slice %arg2[%add3A_161, %dma_wait3A_182] : memref<320000x128xf32, #tpu.memory_space<hbm>> -> memref<80x128xf32, #tpu.memory_space<hbm>>
      tpu.wait_dma2 semaphore(%arg9 : memref<!tpu.dma_semaphore, #tpu.memory_space<semaphore_mem>>) src(%dma_wait3A_183 : memref<80x128xf32, #tpu.memory_space<hbm>>) dst(%dma_wait3A_181 : memref<80x128xf32, #tpu.memory_space<vmem>>)
      %run_scoped3A_184 = arith.constant 0 : i32
      %run_scoped3A_185 = arith.constant 0 : i32
      "tpu.region"() ({
        %run_scoped3A_305 = tpu.sem_alloc : memref<!tpu.dma_semaphore, #tpu.memory_space<semaphore_mem>>
        %dma_start3A_306 = arith.constant 0 : i32
        %dma_start3A_307 = arith.constant 0 : i32
        %dma_start3A_308 = tpu.memref_slice %arg6[%run_scoped3A_184, %dma_start3A_306, %dma_start3A_307] : memref<4x80x128xf32, #tpu.memory_space<vmem>> -> memref<1x80x128xf32, #tpu.memory_space<vmem>>
        %dma_start3A_309 = tpu.memref_squeeze %dma_start3A_308 : memref<1x80x128xf32, #tpu.memory_space<vmem>> -> memref<80x128xf32, #tpu.memory_space<vmem>>
        %dma_start3A_310 = arith.constant 0 : i32
        %dma_start3A_311 = tpu.memref_slice %arg5[%run_scoped3A_185, %dma_start3A_310] : memref<4x80xi32, #tpu.memory_space<vmem>> -> memref<1x80xi32, #tpu.memory_space<vmem>>
        %dma_start3A_312 = tpu.memref_squeeze %dma_start3A_311 : memref<1x80xi32, #tpu.memory_space<vmem>> -> memref<80xi32, #tpu.memory_space<vmem>>
        %dma_start3A_313 = arith.constant 0 : i32
        %dma_start3A_314 = arith.constant 0 : i32
        %dma_start3A_315 = tpu.memref_slice %arg8[%dma_start3A_313, %dma_start3A_314] : memref<10240x128xf32, #tpu.memory_space<vmem_shared>> -> memref<10240x128xf32, #tpu.memory_space<vmem_shared>>
        tpu.enqueue_indirect_dma source(%dma_start3A_309 : memref<80x128xf32, #tpu.memory_space<vmem>>) target(%dma_start3A_315 : memref<10240x128xf32, #tpu.memory_space<vmem_shared>>) offsets(%dma_start3A_312 : memref<80xi32, #tpu.memory_space<vmem>>) semaphore(%run_scoped3A_305 : memref<!tpu.dma_semaphore, #tpu.memory_space<semaphore_mem>>) {add = true}
        %dma_wait3A_316 = arith.constant 0 : i32
        %dma_wait3A_317 = arith.constant 0 : i32
        %dma_wait3A_318 = tpu.memref_slice %arg6[%run_scoped3A_184, %dma_wait3A_316, %dma_wait3A_317] : memref<4x80x128xf32, #tpu.memory_space<vmem>> -> memref<1x80x128xf32, #tpu.memory_space<vmem>>
        %dma_wait3A_319 = tpu.memref_squeeze %dma_wait3A_318 : memref<1x80x128xf32, #tpu.memory_space<vmem>> -> memref<80x128xf32, #tpu.memory_space<vmem>>
        %dma_wait3A_320 = arith.constant 0 : i32
        %dma_wait3A_321 = tpu.memref_slice %arg5[%run_scoped3A_185, %dma_wait3A_320] : memref<4x80xi32, #tpu.memory_space<vmem>> -> memref<1x80xi32, #tpu.memory_space<vmem>>
        %dma_wait3A_322 = tpu.memref_squeeze %dma_wait3A_321 : memref<1x80xi32, #tpu.memory_space<vmem>> -> memref<80xi32, #tpu.memory_space<vmem>>
        %dma_wait3A_323 = arith.constant 0 : i32
        %dma_wait3A_324 = arith.constant 0 : i32
        %dma_wait3A_325 = tpu.memref_slice %arg8[%dma_wait3A_323, %dma_wait3A_324] : memref<10240x128xf32, #tpu.memory_space<vmem_shared>> -> memref<10240x128xf32, #tpu.memory_space<vmem_shared>>
        tpu.wait_indirect_dma semaphore(%run_scoped3A_305 : memref<!tpu.dma_semaphore, #tpu.memory_space<semaphore_mem>>) src(%dma_wait3A_319 : memref<80x128xf32, #tpu.memory_space<vmem>>) dst(%dma_wait3A_325 : memref<10240x128xf32, #tpu.memory_space<vmem_shared>>)
        tpu.yield
      }) : () -> ()
      %add3A_186 = arith.constant 4 : i32
      %add3A_187 = arith.addi %add3A_158, %add3A_186 : i32
      %lt3A = arith.constant 125 : i32
      %lt3A_188 = arith.cmpi slt, %add3A_187, %lt3A : i32
      %convert_element_type3A = arith.extui %lt3A_188 : i1 to i32
      %cond3A = arith.constant 0 : i32
      %cond3A_189 = arith.cmpi ne, %convert_element_type3A, %cond3A : i32
      scf.if %cond3A_189 {
        %mul3A_305 = arith.constant 80 : i32
        %mul3A_306 = arith.muli %add3A_187, %mul3A_305 : i32
        %add3A_307 = arith.addi %mul3A_2, %mul3A_306 : i32
        %dma_start3A_308 = arith.constant 0 : i32
        %dma_start3A_309 = arith.constant 0 : i32
        %dma_start3A_310 = tpu.memref_slice %arg5[%dma_start3A_308, %dma_start3A_309] : memref<4x80xi32, #tpu.memory_space<vmem>> -> memref<1x80xi32, #tpu.memory_space<vmem>>
        %dma_start3A_311 = tpu.memref_squeeze %dma_start3A_310 : memref<1x80xi32, #tpu.memory_space<vmem>> -> memref<80xi32, #tpu.memory_space<vmem>>
        %dma_start3A_312 = tpu.memref_slice %arg3[%add3A_307] : memref<320000xi32, #tpu.memory_space<hbm>> -> memref<80xi32, #tpu.memory_space<hbm>>
        %dma_start3A_313 = arith.constant 0 : i32
        %dma_start3A_314 = tpu.memref_slice %arg5[%dma_start3A_308, %dma_start3A_313] : memref<4x80xi32, #tpu.memory_space<vmem>> -> memref<1x80xi32, #tpu.memory_space<vmem>>
        %dma_start3A_315 = tpu.memref_squeeze %dma_start3A_314 : memref<1x80xi32, #tpu.memory_space<vmem>> -> memref<80xi32, #tpu.memory_space<vmem>>
        %dma_start3A_316 = tpu.memref_slice %arg3[%add3A_307] : memref<320000xi32, #tpu.memory_space<hbm>> -> memref<80xi32, #tpu.memory_space<hbm>>
        tpu.enqueue_dma source(%dma_start3A_316 : memref<80xi32, #tpu.memory_space<hbm>>) target(%dma_start3A_315 : memref<80xi32, #tpu.memory_space<vmem>>) target_semaphore(%arg9 : memref<!tpu.dma_semaphore, #tpu.memory_space<semaphore_mem>>)
        %dma_start3A_317 = arith.constant 0 : i32
        %dma_start3A_318 = arith.constant 0 : i32
        %dma_start3A_319 = arith.constant 0 : i32
        %dma_start3A_320 = tpu.memref_slice %arg6[%dma_start3A_317, %dma_start3A_318, %dma_start3A_319] : memref<4x80x128xf32, #tpu.memory_space<vmem>> -> memref<1x80x128xf32, #tpu.memory_space<vmem>>
        %dma_start3A_321 = tpu.memref_squeeze %dma_start3A_320 : memref<1x80x128xf32, #tpu.memory_space<vmem>> -> memref<80x128xf32, #tpu.memory_space<vmem>>
        %dma_start3A_322 = arith.constant 0 : i32
        %dma_start3A_323 = tpu.memref_slice %arg2[%add3A_307, %dma_start3A_322] : memref<320000x128xf32, #tpu.memory_space<hbm>> -> memref<80x128xf32, #tpu.memory_space<hbm>>
        %dma_start3A_324 = arith.constant 0 : i32
        %dma_start3A_325 = arith.constant 0 : i32
        %dma_start3A_326 = tpu.memref_slice %arg6[%dma_start3A_317, %dma_start3A_324, %dma_start3A_325] : memref<4x80x128xf32, #tpu.memory_space<vmem>> -> memref<1x80x128xf32, #tpu.memory_space<vmem>>
        %dma_start3A_327 = tpu.memref_squeeze %dma_start3A_326 : memref<1x80x128xf32, #tpu.memory_space<vmem>> -> memref<80x128xf32, #tpu.memory_space<vmem>>
        %dma_start3A_328 = arith.constant 0 : i32
        %dma_start3A_329 = tpu.memref_slice %arg2[%add3A_307, %dma_start3A_328] : memref<320000x128xf32, #tpu.memory_space<hbm>> -> memref<80x128xf32, #tpu.memory_space<hbm>>
        tpu.enqueue_dma source(%dma_start3A_329 : memref<80x128xf32, #tpu.memory_space<hbm>>) target(%dma_start3A_327 : memref<80x128xf32, #tpu.memory_space<vmem>>) target_semaphore(%arg9 : memref<!tpu.dma_semaphore, #tpu.memory_space<semaphore_mem>>)
      } else {
      }
      %mul3A_190 = arith.constant 4 : i32
      %mul3A_191 = arith.muli %scan3A_153, %mul3A_190 : i32
      %add3A_192 = arith.constant 1 : i32
      %add3A_193 = arith.addi %mul3A_191, %add3A_192 : i32
      %mul3A_194 = arith.constant 80 : i32
      %mul3A_195 = arith.muli %add3A_193, %mul3A_194 : i32
      %add3A_196 = arith.addi %mul3A_2, %mul3A_195 : i32
      %dma_wait3A_197 = arith.constant 1 : i32
      %dma_wait3A_198 = arith.constant 0 : i32
      %dma_wait3A_199 = tpu.memref_slice %arg5[%dma_wait3A_197, %dma_wait3A_198] : memref<4x80xi32, #tpu.memory_space<vmem>> -> memref<1x80xi32, #tpu.memory_space<vmem>>
      %dma_wait3A_200 = tpu.memref_squeeze %dma_wait3A_199 : memref<1x80xi32, #tpu.memory_space<vmem>> -> memref<80xi32, #tpu.memory_space<vmem>>
      %dma_wait3A_201 = tpu.memref_slice %arg3[%add3A_196] : memref<320000xi32, #tpu.memory_space<hbm>> -> memref<80xi32, #tpu.memory_space<hbm>>
      %dma_wait3A_202 = arith.constant 0 : i32
      %dma_wait3A_203 = tpu.memref_slice %arg5[%dma_wait3A_197, %dma_wait3A_202] : memref<4x80xi32, #tpu.memory_space<vmem>> -> memref<1x80xi32, #tpu.memory_space<vmem>>
      %dma_wait3A_204 = tpu.memref_squeeze %dma_wait3A_203 : memref<1x80xi32, #tpu.memory_space<vmem>> -> memref<80xi32, #tpu.memory_space<vmem>>
      %dma_wait3A_205 = tpu.memref_slice %arg3[%add3A_196] : memref<320000xi32, #tpu.memory_space<hbm>> -> memref<80xi32, #tpu.memory_space<hbm>>
      tpu.wait_dma2 semaphore(%arg10 : memref<!tpu.dma_semaphore, #tpu.memory_space<semaphore_mem>>) src(%dma_wait3A_205 : memref<80xi32, #tpu.memory_space<hbm>>) dst(%dma_wait3A_204 : memref<80xi32, #tpu.memory_space<vmem>>)
      %dma_wait3A_206 = arith.constant 1 : i32
      %dma_wait3A_207 = arith.constant 0 : i32
      %dma_wait3A_208 = arith.constant 0 : i32
      %dma_wait3A_209 = tpu.memref_slice %arg6[%dma_wait3A_206, %dma_wait3A_207, %dma_wait3A_208] : memref<4x80x128xf32, #tpu.memory_space<vmem>> -> memref<1x80x128xf32, #tpu.memory_space<vmem>>
      %dma_wait3A_210 = tpu.memref_squeeze %dma_wait3A_209 : memref<1x80x128xf32, #tpu.memory_space<vmem>> -> memref<80x128xf32, #tpu.memory_space<vmem>>
      %dma_wait3A_211 = arith.constant 0 : i32
      %dma_wait3A_212 = tpu.memref_slice %arg2[%add3A_196, %dma_wait3A_211] : memref<320000x128xf32, #tpu.memory_space<hbm>> -> memref<80x128xf32, #tpu.memory_space<hbm>>
      %dma_wait3A_213 = arith.constant 0 : i32
      %dma_wait3A_214 = arith.constant 0 : i32
      %dma_wait3A_215 = tpu.memref_slice %arg6[%dma_wait3A_206, %dma_wait3A_213, %dma_wait3A_214] : memref<4x80x128xf32, #tpu.memory_space<vmem>> -> memref<1x80x128xf32, #tpu.memory_space<vmem>>
      %dma_wait3A_216 = tpu.memref_squeeze %dma_wait3A_215 : memref<1x80x128xf32, #tpu.memory_space<vmem>> -> memref<80x128xf32, #tpu.memory_space<vmem>>
      %dma_wait3A_217 = arith.constant 0 : i32
      %dma_wait3A_218 = tpu.memref_slice %arg2[%add3A_196, %dma_wait3A_217] : memref<320000x128xf32, #tpu.memory_space<hbm>> -> memref<80x128xf32, #tpu.memory_space<hbm>>
      tpu.wait_dma2 semaphore(%arg10 : memref<!tpu.dma_semaphore, #tpu.memory_space<semaphore_mem>>) src(%dma_wait3A_218 : memref<80x128xf32, #tpu.memory_space<hbm>>) dst(%dma_wait3A_216 : memref<80x128xf32, #tpu.memory_space<vmem>>)
      %run_scoped3A_219 = arith.constant 1 : i32
      %run_scoped3A_220 = arith.constant 1 : i32
      "tpu.region"() ({
        %run_scoped3A_305 = tpu.sem_alloc : memref<!tpu.dma_semaphore, #tpu.memory_space<semaphore_mem>>
        %dma_start3A_306 = arith.constant 0 : i32
        %dma_start3A_307 = arith.constant 0 : i32
        %dma_start3A_308 = tpu.memref_slice %arg6[%run_scoped3A_219, %dma_start3A_306, %dma_start3A_307] : memref<4x80x128xf32, #tpu.memory_space<vmem>> -> memref<1x80x128xf32, #tpu.memory_space<vmem>>
        %dma_start3A_309 = tpu.memref_squeeze %dma_start3A_308 : memref<1x80x128xf32, #tpu.memory_space<vmem>> -> memref<80x128xf32, #tpu.memory_space<vmem>>
        %dma_start3A_310 = arith.constant 0 : i32
        %dma_start3A_311 = tpu.memref_slice %arg5[%run_scoped3A_220, %dma_start3A_310] : memref<4x80xi32, #tpu.memory_space<vmem>> -> memref<1x80xi32, #tpu.memory_space<vmem>>
        %dma_start3A_312 = tpu.memref_squeeze %dma_start3A_311 : memref<1x80xi32, #tpu.memory_space<vmem>> -> memref<80xi32, #tpu.memory_space<vmem>>
        %dma_start3A_313 = arith.constant 0 : i32
        %dma_start3A_314 = arith.constant 0 : i32
        %dma_start3A_315 = tpu.memref_slice %arg8[%dma_start3A_313, %dma_start3A_314] : memref<10240x128xf32, #tpu.memory_space<vmem_shared>> -> memref<10240x128xf32, #tpu.memory_space<vmem_shared>>
        tpu.enqueue_indirect_dma source(%dma_start3A_309 : memref<80x128xf32, #tpu.memory_space<vmem>>) target(%dma_start3A_315 : memref<10240x128xf32, #tpu.memory_space<vmem_shared>>) offsets(%dma_start3A_312 : memref<80xi32, #tpu.memory_space<vmem>>) semaphore(%run_scoped3A_305 : memref<!tpu.dma_semaphore, #tpu.memory_space<semaphore_mem>>) {add = true}
        %dma_wait3A_316 = arith.constant 0 : i32
        %dma_wait3A_317 = arith.constant 0 : i32
        %dma_wait3A_318 = tpu.memref_slice %arg6[%run_scoped3A_219, %dma_wait3A_316, %dma_wait3A_317] : memref<4x80x128xf32, #tpu.memory_space<vmem>> -> memref<1x80x128xf32, #tpu.memory_space<vmem>>
        %dma_wait3A_319 = tpu.memref_squeeze %dma_wait3A_318 : memref<1x80x128xf32, #tpu.memory_space<vmem>> -> memref<80x128xf32, #tpu.memory_space<vmem>>
        %dma_wait3A_320 = arith.constant 0 : i32
        %dma_wait3A_321 = tpu.memref_slice %arg5[%run_scoped3A_220, %dma_wait3A_320] : memref<4x80xi32, #tpu.memory_space<vmem>> -> memref<1x80xi32, #tpu.memory_space<vmem>>
        %dma_wait3A_322 = tpu.memref_squeeze %dma_wait3A_321 : memref<1x80xi32, #tpu.memory_space<vmem>> -> memref<80xi32, #tpu.memory_space<vmem>>
        %dma_wait3A_323 = arith.constant 0 : i32
        %dma_wait3A_324 = arith.constant 0 : i32
        %dma_wait3A_325 = tpu.memref_slice %arg8[%dma_wait3A_323, %dma_wait3A_324] : memref<10240x128xf32, #tpu.memory_space<vmem_shared>> -> memref<10240x128xf32, #tpu.memory_space<vmem_shared>>
        tpu.wait_indirect_dma semaphore(%run_scoped3A_305 : memref<!tpu.dma_semaphore, #tpu.memory_space<semaphore_mem>>) src(%dma_wait3A_319 : memref<80x128xf32, #tpu.memory_space<vmem>>) dst(%dma_wait3A_325 : memref<10240x128xf32, #tpu.memory_space<vmem_shared>>)
        tpu.yield
      }) : () -> ()
      %add3A_221 = arith.constant 4 : i32
      %add3A_222 = arith.addi %add3A_193, %add3A_221 : i32
      %lt3A_223 = arith.constant 125 : i32
      %lt3A_224 = arith.cmpi slt, %add3A_222, %lt3A_223 : i32
      %convert_element_type3A_225 = arith.extui %lt3A_224 : i1 to i32
      %cond3A_226 = arith.constant 0 : i32
      %cond3A_227 = arith.cmpi ne, %convert_element_type3A_225, %cond3A_226 : i32
      scf.if %cond3A_227 {
        %mul3A_305 = arith.constant 80 : i32
        %mul3A_306 = arith.muli %add3A_222, %mul3A_305 : i32
        %add3A_307 = arith.addi %mul3A_2, %mul3A_306 : i32
        %dma_start3A_308 = arith.constant 1 : i32
        %dma_start3A_309 = arith.constant 0 : i32
        %dma_start3A_310 = tpu.memref_slice %arg5[%dma_start3A_308, %dma_start3A_309] : memref<4x80xi32, #tpu.memory_space<vmem>> -> memref<1x80xi32, #tpu.memory_space<vmem>>
        %dma_start3A_311 = tpu.memref_squeeze %dma_start3A_310 : memref<1x80xi32, #tpu.memory_space<vmem>> -> memref<80xi32, #tpu.memory_space<vmem>>
        %dma_start3A_312 = tpu.memref_slice %arg3[%add3A_307] : memref<320000xi32, #tpu.memory_space<hbm>> -> memref<80xi32, #tpu.memory_space<hbm>>
        %dma_start3A_313 = arith.constant 0 : i32
        %dma_start3A_314 = tpu.memref_slice %arg5[%dma_start3A_308, %dma_start3A_313] : memref<4x80xi32, #tpu.memory_space<vmem>> -> memref<1x80xi32, #tpu.memory_space<vmem>>
        %dma_start3A_315 = tpu.memref_squeeze %dma_start3A_314 : memref<1x80xi32, #tpu.memory_space<vmem>> -> memref<80xi32, #tpu.memory_space<vmem>>
        %dma_start3A_316 = tpu.memref_slice %arg3[%add3A_307] : memref<320000xi32, #tpu.memory_space<hbm>> -> memref<80xi32, #tpu.memory_space<hbm>>
        tpu.enqueue_dma source(%dma_start3A_316 : memref<80xi32, #tpu.memory_space<hbm>>) target(%dma_start3A_315 : memref<80xi32, #tpu.memory_space<vmem>>) target_semaphore(%arg10 : memref<!tpu.dma_semaphore, #tpu.memory_space<semaphore_mem>>)
        %dma_start3A_317 = arith.constant 1 : i32
        %dma_start3A_318 = arith.constant 0 : i32
        %dma_start3A_319 = arith.constant 0 : i32
        %dma_start3A_320 = tpu.memref_slice %arg6[%dma_start3A_317, %dma_start3A_318, %dma_start3A_319] : memref<4x80x128xf32, #tpu.memory_space<vmem>> -> memref<1x80x128xf32, #tpu.memory_space<vmem>>
        %dma_start3A_321 = tpu.memref_squeeze %dma_start3A_320 : memref<1x80x128xf32, #tpu.memory_space<vmem>> -> memref<80x128xf32, #tpu.memory_space<vmem>>
        %dma_start3A_322 = arith.constant 0 : i32
        %dma_start3A_323 = tpu.memref_slice %arg2[%add3A_307, %dma_start3A_322] : memref<320000x128xf32, #tpu.memory_space<hbm>> -> memref<80x128xf32, #tpu.memory_space<hbm>>
        %dma_start3A_324 = arith.constant 0 : i32
        %dma_start3A_325 = arith.constant 0 : i32
        %dma_start3A_326 = tpu.memref_slice %arg6[%dma_start3A_317, %dma_start3A_324, %dma_start3A_325] : memref<4x80x128xf32, #tpu.memory_space<vmem>> -> memref<1x80x128xf32, #tpu.memory_space<vmem>>
        %dma_start3A_327 = tpu.memref_squeeze %dma_start3A_326 : memref<1x80x128xf32, #tpu.memory_space<vmem>> -> memref<80x128xf32, #tpu.memory_space<vmem>>
        %dma_start3A_328 = arith.constant 0 : i32
        %dma_start3A_329 = tpu.memref_slice %arg2[%add3A_307, %dma_start3A_328] : memref<320000x128xf32, #tpu.memory_space<hbm>> -> memref<80x128xf32, #tpu.memory_space<hbm>>
        tpu.enqueue_dma source(%dma_start3A_329 : memref<80x128xf32, #tpu.memory_space<hbm>>) target(%dma_start3A_327 : memref<80x128xf32, #tpu.memory_space<vmem>>) target_semaphore(%arg10 : memref<!tpu.dma_semaphore, #tpu.memory_space<semaphore_mem>>)
      } else {
      }
      %mul3A_228 = arith.constant 4 : i32
      %mul3A_229 = arith.muli %scan3A_153, %mul3A_228 : i32
      %add3A_230 = arith.constant 2 : i32
      %add3A_231 = arith.addi %mul3A_229, %add3A_230 : i32
      %mul3A_232 = arith.constant 80 : i32
      %mul3A_233 = arith.muli %add3A_231, %mul3A_232 : i32
      %add3A_234 = arith.addi %mul3A_2, %mul3A_233 : i32
      %dma_wait3A_235 = arith.constant 2 : i32
      %dma_wait3A_236 = arith.constant 0 : i32
      %dma_wait3A_237 = tpu.memref_slice %arg5[%dma_wait3A_235, %dma_wait3A_236] : memref<4x80xi32, #tpu.memory_space<vmem>> -> memref<1x80xi32, #tpu.memory_space<vmem>>
      %dma_wait3A_238 = tpu.memref_squeeze %dma_wait3A_237 : memref<1x80xi32, #tpu.memory_space<vmem>> -> memref<80xi32, #tpu.memory_space<vmem>>
      %dma_wait3A_239 = tpu.memref_slice %arg3[%add3A_234] : memref<320000xi32, #tpu.memory_space<hbm>> -> memref<80xi32, #tpu.memory_space<hbm>>
      %dma_wait3A_240 = arith.constant 0 : i32
      %dma_wait3A_241 = tpu.memref_slice %arg5[%dma_wait3A_235, %dma_wait3A_240] : memref<4x80xi32, #tpu.memory_space<vmem>> -> memref<1x80xi32, #tpu.memory_space<vmem>>
      %dma_wait3A_242 = tpu.memref_squeeze %dma_wait3A_241 : memref<1x80xi32, #tpu.memory_space<vmem>> -> memref<80xi32, #tpu.memory_space<vmem>>
      %dma_wait3A_243 = tpu.memref_slice %arg3[%add3A_234] : memref<320000xi32, #tpu.memory_space<hbm>> -> memref<80xi32, #tpu.memory_space<hbm>>
      tpu.wait_dma2 semaphore(%arg11 : memref<!tpu.dma_semaphore, #tpu.memory_space<semaphore_mem>>) src(%dma_wait3A_243 : memref<80xi32, #tpu.memory_space<hbm>>) dst(%dma_wait3A_242 : memref<80xi32, #tpu.memory_space<vmem>>)
      %dma_wait3A_244 = arith.constant 2 : i32
      %dma_wait3A_245 = arith.constant 0 : i32
      %dma_wait3A_246 = arith.constant 0 : i32
      %dma_wait3A_247 = tpu.memref_slice %arg6[%dma_wait3A_244, %dma_wait3A_245, %dma_wait3A_246] : memref<4x80x128xf32, #tpu.memory_space<vmem>> -> memref<1x80x128xf32, #tpu.memory_space<vmem>>
      %dma_wait3A_248 = tpu.memref_squeeze %dma_wait3A_247 : memref<1x80x128xf32, #tpu.memory_space<vmem>> -> memref<80x128xf32, #tpu.memory_space<vmem>>
      %dma_wait3A_249 = arith.constant 0 : i32
      %dma_wait3A_250 = tpu.memref_slice %arg2[%add3A_234, %dma_wait3A_249] : memref<320000x128xf32, #tpu.memory_space<hbm>> -> memref<80x128xf32, #tpu.memory_space<hbm>>
      %dma_wait3A_251 = arith.constant 0 : i32
      %dma_wait3A_252 = arith.constant 0 : i32
      %dma_wait3A_253 = tpu.memref_slice %arg6[%dma_wait3A_244, %dma_wait3A_251, %dma_wait3A_252] : memref<4x80x128xf32, #tpu.memory_space<vmem>> -> memref<1x80x128xf32, #tpu.memory_space<vmem>>
      %dma_wait3A_254 = tpu.memref_squeeze %dma_wait3A_253 : memref<1x80x128xf32, #tpu.memory_space<vmem>> -> memref<80x128xf32, #tpu.memory_space<vmem>>
      %dma_wait3A_255 = arith.constant 0 : i32
      %dma_wait3A_256 = tpu.memref_slice %arg2[%add3A_234, %dma_wait3A_255] : memref<320000x128xf32, #tpu.memory_space<hbm>> -> memref<80x128xf32, #tpu.memory_space<hbm>>
      tpu.wait_dma2 semaphore(%arg11 : memref<!tpu.dma_semaphore, #tpu.memory_space<semaphore_mem>>) src(%dma_wait3A_256 : memref<80x128xf32, #tpu.memory_space<hbm>>) dst(%dma_wait3A_254 : memref<80x128xf32, #tpu.memory_space<vmem>>)
      %run_scoped3A_257 = arith.constant 2 : i32
      %run_scoped3A_258 = arith.constant 2 : i32
      "tpu.region"() ({
        %run_scoped3A_305 = tpu.sem_alloc : memref<!tpu.dma_semaphore, #tpu.memory_space<semaphore_mem>>
        %dma_start3A_306 = arith.constant 0 : i32
        %dma_start3A_307 = arith.constant 0 : i32
        %dma_start3A_308 = tpu.memref_slice %arg6[%run_scoped3A_257, %dma_start3A_306, %dma_start3A_307] : memref<4x80x128xf32, #tpu.memory_space<vmem>> -> memref<1x80x128xf32, #tpu.memory_space<vmem>>
        %dma_start3A_309 = tpu.memref_squeeze %dma_start3A_308 : memref<1x80x128xf32, #tpu.memory_space<vmem>> -> memref<80x128xf32, #tpu.memory_space<vmem>>
        %dma_start3A_310 = arith.constant 0 : i32
        %dma_start3A_311 = tpu.memref_slice %arg5[%run_scoped3A_258, %dma_start3A_310] : memref<4x80xi32, #tpu.memory_space<vmem>> -> memref<1x80xi32, #tpu.memory_space<vmem>>
        %dma_start3A_312 = tpu.memref_squeeze %dma_start3A_311 : memref<1x80xi32, #tpu.memory_space<vmem>> -> memref<80xi32, #tpu.memory_space<vmem>>
        %dma_start3A_313 = arith.constant 0 : i32
        %dma_start3A_314 = arith.constant 0 : i32
        %dma_start3A_315 = tpu.memref_slice %arg8[%dma_start3A_313, %dma_start3A_314] : memref<10240x128xf32, #tpu.memory_space<vmem_shared>> -> memref<10240x128xf32, #tpu.memory_space<vmem_shared>>
        tpu.enqueue_indirect_dma source(%dma_start3A_309 : memref<80x128xf32, #tpu.memory_space<vmem>>) target(%dma_start3A_315 : memref<10240x128xf32, #tpu.memory_space<vmem_shared>>) offsets(%dma_start3A_312 : memref<80xi32, #tpu.memory_space<vmem>>) semaphore(%run_scoped3A_305 : memref<!tpu.dma_semaphore, #tpu.memory_space<semaphore_mem>>) {add = true}
        %dma_wait3A_316 = arith.constant 0 : i32
        %dma_wait3A_317 = arith.constant 0 : i32
        %dma_wait3A_318 = tpu.memref_slice %arg6[%run_scoped3A_257, %dma_wait3A_316, %dma_wait3A_317] : memref<4x80x128xf32, #tpu.memory_space<vmem>> -> memref<1x80x128xf32, #tpu.memory_space<vmem>>
        %dma_wait3A_319 = tpu.memref_squeeze %dma_wait3A_318 : memref<1x80x128xf32, #tpu.memory_space<vmem>> -> memref<80x128xf32, #tpu.memory_space<vmem>>
        %dma_wait3A_320 = arith.constant 0 : i32
        %dma_wait3A_321 = tpu.memref_slice %arg5[%run_scoped3A_258, %dma_wait3A_320] : memref<4x80xi32, #tpu.memory_space<vmem>> -> memref<1x80xi32, #tpu.memory_space<vmem>>
        %dma_wait3A_322 = tpu.memref_squeeze %dma_wait3A_321 : memref<1x80xi32, #tpu.memory_space<vmem>> -> memref<80xi32, #tpu.memory_space<vmem>>
        %dma_wait3A_323 = arith.constant 0 : i32
        %dma_wait3A_324 = arith.constant 0 : i32
        %dma_wait3A_325 = tpu.memref_slice %arg8[%dma_wait3A_323, %dma_wait3A_324] : memref<10240x128xf32, #tpu.memory_space<vmem_shared>> -> memref<10240x128xf32, #tpu.memory_space<vmem_shared>>
        tpu.wait_indirect_dma semaphore(%run_scoped3A_305 : memref<!tpu.dma_semaphore, #tpu.memory_space<semaphore_mem>>) src(%dma_wait3A_319 : memref<80x128xf32, #tpu.memory_space<vmem>>) dst(%dma_wait3A_325 : memref<10240x128xf32, #tpu.memory_space<vmem_shared>>)
        tpu.yield
      }) : () -> ()
      %add3A_259 = arith.constant 4 : i32
      %add3A_260 = arith.addi %add3A_231, %add3A_259 : i32
      %lt3A_261 = arith.constant 125 : i32
      %lt3A_262 = arith.cmpi slt, %add3A_260, %lt3A_261 : i32
      %convert_element_type3A_263 = arith.extui %lt3A_262 : i1 to i32
      %cond3A_264 = arith.constant 0 : i32
      %cond3A_265 = arith.cmpi ne, %convert_element_type3A_263, %cond3A_264 : i32
      scf.if %cond3A_265 {
        %mul3A_305 = arith.constant 80 : i32
        %mul3A_306 = arith.muli %add3A_260, %mul3A_305 : i32
        %add3A_307 = arith.addi %mul3A_2, %mul3A_306 : i32
        %dma_start3A_308 = arith.constant 2 : i32
        %dma_start3A_309 = arith.constant 0 : i32
        %dma_start3A_310 = tpu.memref_slice %arg5[%dma_start3A_308, %dma_start3A_309] : memref<4x80xi32, #tpu.memory_space<vmem>> -> memref<1x80xi32, #tpu.memory_space<vmem>>
        %dma_start3A_311 = tpu.memref_squeeze %dma_start3A_310 : memref<1x80xi32, #tpu.memory_space<vmem>> -> memref<80xi32, #tpu.memory_space<vmem>>
        %dma_start3A_312 = tpu.memref_slice %arg3[%add3A_307] : memref<320000xi32, #tpu.memory_space<hbm>> -> memref<80xi32, #tpu.memory_space<hbm>>
        %dma_start3A_313 = arith.constant 0 : i32
        %dma_start3A_314 = tpu.memref_slice %arg5[%dma_start3A_308, %dma_start3A_313] : memref<4x80xi32, #tpu.memory_space<vmem>> -> memref<1x80xi32, #tpu.memory_space<vmem>>
        %dma_start3A_315 = tpu.memref_squeeze %dma_start3A_314 : memref<1x80xi32, #tpu.memory_space<vmem>> -> memref<80xi32, #tpu.memory_space<vmem>>
        %dma_start3A_316 = tpu.memref_slice %arg3[%add3A_307] : memref<320000xi32, #tpu.memory_space<hbm>> -> memref<80xi32, #tpu.memory_space<hbm>>
        tpu.enqueue_dma source(%dma_start3A_316 : memref<80xi32, #tpu.memory_space<hbm>>) target(%dma_start3A_315 : memref<80xi32, #tpu.memory_space<vmem>>) target_semaphore(%arg11 : memref<!tpu.dma_semaphore, #tpu.memory_space<semaphore_mem>>)
        %dma_start3A_317 = arith.constant 2 : i32
        %dma_start3A_318 = arith.constant 0 : i32
        %dma_start3A_319 = arith.constant 0 : i32
        %dma_start3A_320 = tpu.memref_slice %arg6[%dma_start3A_317, %dma_start3A_318, %dma_start3A_319] : memref<4x80x128xf32, #tpu.memory_space<vmem>> -> memref<1x80x128xf32, #tpu.memory_space<vmem>>
        %dma_start3A_321 = tpu.memref_squeeze %dma_start3A_320 : memref<1x80x128xf32, #tpu.memory_space<vmem>> -> memref<80x128xf32, #tpu.memory_space<vmem>>
        %dma_start3A_322 = arith.constant 0 : i32
        %dma_start3A_323 = tpu.memref_slice %arg2[%add3A_307, %dma_start3A_322] : memref<320000x128xf32, #tpu.memory_space<hbm>> -> memref<80x128xf32, #tpu.memory_space<hbm>>
        %dma_start3A_324 = arith.constant 0 : i32
        %dma_start3A_325 = arith.constant 0 : i32
        %dma_start3A_326 = tpu.memref_slice %arg6[%dma_start3A_317, %dma_start3A_324, %dma_start3A_325] : memref<4x80x128xf32, #tpu.memory_space<vmem>> -> memref<1x80x128xf32, #tpu.memory_space<vmem>>
        %dma_start3A_327 = tpu.memref_squeeze %dma_start3A_326 : memref<1x80x128xf32, #tpu.memory_space<vmem>> -> memref<80x128xf32, #tpu.memory_space<vmem>>
        %dma_start3A_328 = arith.constant 0 : i32
        %dma_start3A_329 = tpu.memref_slice %arg2[%add3A_307, %dma_start3A_328] : memref<320000x128xf32, #tpu.memory_space<hbm>> -> memref<80x128xf32, #tpu.memory_space<hbm>>
        tpu.enqueue_dma source(%dma_start3A_329 : memref<80x128xf32, #tpu.memory_space<hbm>>) target(%dma_start3A_327 : memref<80x128xf32, #tpu.memory_space<vmem>>) target_semaphore(%arg11 : memref<!tpu.dma_semaphore, #tpu.memory_space<semaphore_mem>>)
      } else {
      }
      %mul3A_266 = arith.constant 4 : i32
      %mul3A_267 = arith.muli %scan3A_153, %mul3A_266 : i32
      %add3A_268 = arith.constant 3 : i32
      %add3A_269 = arith.addi %mul3A_267, %add3A_268 : i32
      %mul3A_270 = arith.constant 80 : i32
      %mul3A_271 = arith.muli %add3A_269, %mul3A_270 : i32
      %add3A_272 = arith.addi %mul3A_2, %mul3A_271 : i32
      %dma_wait3A_273 = arith.constant 3 : i32
      %dma_wait3A_274 = arith.constant 0 : i32
      %dma_wait3A_275 = tpu.memref_slice %arg5[%dma_wait3A_273, %dma_wait3A_274] : memref<4x80xi32, #tpu.memory_space<vmem>> -> memref<1x80xi32, #tpu.memory_space<vmem>>
      %dma_wait3A_276 = tpu.memref_squeeze %dma_wait3A_275 : memref<1x80xi32, #tpu.memory_space<vmem>> -> memref<80xi32, #tpu.memory_space<vmem>>
      %dma_wait3A_277 = tpu.memref_slice %arg3[%add3A_272] : memref<320000xi32, #tpu.memory_space<hbm>> -> memref<80xi32, #tpu.memory_space<hbm>>
      %dma_wait3A_278 = arith.constant 0 : i32
      %dma_wait3A_279 = tpu.memref_slice %arg5[%dma_wait3A_273, %dma_wait3A_278] : memref<4x80xi32, #tpu.memory_space<vmem>> -> memref<1x80xi32, #tpu.memory_space<vmem>>
      %dma_wait3A_280 = tpu.memref_squeeze %dma_wait3A_279 : memref<1x80xi32, #tpu.memory_space<vmem>> -> memref<80xi32, #tpu.memory_space<vmem>>
      %dma_wait3A_281 = tpu.memref_slice %arg3[%add3A_272] : memref<320000xi32, #tpu.memory_space<hbm>> -> memref<80xi32, #tpu.memory_space<hbm>>
      tpu.wait_dma2 semaphore(%arg12 : memref<!tpu.dma_semaphore, #tpu.memory_space<semaphore_mem>>) src(%dma_wait3A_281 : memref<80xi32, #tpu.memory_space<hbm>>) dst(%dma_wait3A_280 : memref<80xi32, #tpu.memory_space<vmem>>)
      %dma_wait3A_282 = arith.constant 3 : i32
      %dma_wait3A_283 = arith.constant 0 : i32
      %dma_wait3A_284 = arith.constant 0 : i32
      %dma_wait3A_285 = tpu.memref_slice %arg6[%dma_wait3A_282, %dma_wait3A_283, %dma_wait3A_284] : memref<4x80x128xf32, #tpu.memory_space<vmem>> -> memref<1x80x128xf32, #tpu.memory_space<vmem>>
      %dma_wait3A_286 = tpu.memref_squeeze %dma_wait3A_285 : memref<1x80x128xf32, #tpu.memory_space<vmem>> -> memref<80x128xf32, #tpu.memory_space<vmem>>
      %dma_wait3A_287 = arith.constant 0 : i32
      %dma_wait3A_288 = tpu.memref_slice %arg2[%add3A_272, %dma_wait3A_287] : memref<320000x128xf32, #tpu.memory_space<hbm>> -> memref<80x128xf32, #tpu.memory_space<hbm>>
      %dma_wait3A_289 = arith.constant 0 : i32
      %dma_wait3A_290 = arith.constant 0 : i32
      %dma_wait3A_291 = tpu.memref_slice %arg6[%dma_wait3A_282, %dma_wait3A_289, %dma_wait3A_290] : memref<4x80x128xf32, #tpu.memory_space<vmem>> -> memref<1x80x128xf32, #tpu.memory_space<vmem>>
      %dma_wait3A_292 = tpu.memref_squeeze %dma_wait3A_291 : memref<1x80x128xf32, #tpu.memory_space<vmem>> -> memref<80x128xf32, #tpu.memory_space<vmem>>
      %dma_wait3A_293 = arith.constant 0 : i32
      %dma_wait3A_294 = tpu.memref_slice %arg2[%add3A_272, %dma_wait3A_293] : memref<320000x128xf32, #tpu.memory_space<hbm>> -> memref<80x128xf32, #tpu.memory_space<hbm>>
      tpu.wait_dma2 semaphore(%arg12 : memref<!tpu.dma_semaphore, #tpu.memory_space<semaphore_mem>>) src(%dma_wait3A_294 : memref<80x128xf32, #tpu.memory_space<hbm>>) dst(%dma_wait3A_292 : memref<80x128xf32, #tpu.memory_space<vmem>>)
      %run_scoped3A_295 = arith.constant 3 : i32
      %run_scoped3A_296 = arith.constant 3 : i32
      "tpu.region"() ({
        %run_scoped3A_305 = tpu.sem_alloc : memref<!tpu.dma_semaphore, #tpu.memory_space<semaphore_mem>>
        %dma_start3A_306 = arith.constant 0 : i32
        %dma_start3A_307 = arith.constant 0 : i32
        %dma_start3A_308 = tpu.memref_slice %arg6[%run_scoped3A_295, %dma_start3A_306, %dma_start3A_307] : memref<4x80x128xf32, #tpu.memory_space<vmem>> -> memref<1x80x128xf32, #tpu.memory_space<vmem>>
        %dma_start3A_309 = tpu.memref_squeeze %dma_start3A_308 : memref<1x80x128xf32, #tpu.memory_space<vmem>> -> memref<80x128xf32, #tpu.memory_space<vmem>>
        %dma_start3A_310 = arith.constant 0 : i32
        %dma_start3A_311 = tpu.memref_slice %arg5[%run_scoped3A_296, %dma_start3A_310] : memref<4x80xi32, #tpu.memory_space<vmem>> -> memref<1x80xi32, #tpu.memory_space<vmem>>
        %dma_start3A_312 = tpu.memref_squeeze %dma_start3A_311 : memref<1x80xi32, #tpu.memory_space<vmem>> -> memref<80xi32, #tpu.memory_space<vmem>>
        %dma_start3A_313 = arith.constant 0 : i32
        %dma_start3A_314 = arith.constant 0 : i32
        %dma_start3A_315 = tpu.memref_slice %arg8[%dma_start3A_313, %dma_start3A_314] : memref<10240x128xf32, #tpu.memory_space<vmem_shared>> -> memref<10240x128xf32, #tpu.memory_space<vmem_shared>>
        tpu.enqueue_indirect_dma source(%dma_start3A_309 : memref<80x128xf32, #tpu.memory_space<vmem>>) target(%dma_start3A_315 : memref<10240x128xf32, #tpu.memory_space<vmem_shared>>) offsets(%dma_start3A_312 : memref<80xi32, #tpu.memory_space<vmem>>) semaphore(%run_scoped3A_305 : memref<!tpu.dma_semaphore, #tpu.memory_space<semaphore_mem>>) {add = true}
        %dma_wait3A_316 = arith.constant 0 : i32
        %dma_wait3A_317 = arith.constant 0 : i32
        %dma_wait3A_318 = tpu.memref_slice %arg6[%run_scoped3A_295, %dma_wait3A_316, %dma_wait3A_317] : memref<4x80x128xf32, #tpu.memory_space<vmem>> -> memref<1x80x128xf32, #tpu.memory_space<vmem>>
        %dma_wait3A_319 = tpu.memref_squeeze %dma_wait3A_318 : memref<1x80x128xf32, #tpu.memory_space<vmem>> -> memref<80x128xf32, #tpu.memory_space<vmem>>
        %dma_wait3A_320 = arith.constant 0 : i32
        %dma_wait3A_321 = tpu.memref_slice %arg5[%run_scoped3A_296, %dma_wait3A_320] : memref<4x80xi32, #tpu.memory_space<vmem>> -> memref<1x80xi32, #tpu.memory_space<vmem>>
        %dma_wait3A_322 = tpu.memref_squeeze %dma_wait3A_321 : memref<1x80xi32, #tpu.memory_space<vmem>> -> memref<80xi32, #tpu.memory_space<vmem>>
        %dma_wait3A_323 = arith.constant 0 : i32
        %dma_wait3A_324 = arith.constant 0 : i32
        %dma_wait3A_325 = tpu.memref_slice %arg8[%dma_wait3A_323, %dma_wait3A_324] : memref<10240x128xf32, #tpu.memory_space<vmem_shared>> -> memref<10240x128xf32, #tpu.memory_space<vmem_shared>>
        tpu.wait_indirect_dma semaphore(%run_scoped3A_305 : memref<!tpu.dma_semaphore, #tpu.memory_space<semaphore_mem>>) src(%dma_wait3A_319 : memref<80x128xf32, #tpu.memory_space<vmem>>) dst(%dma_wait3A_325 : memref<10240x128xf32, #tpu.memory_space<vmem_shared>>)
        tpu.yield
      }) : () -> ()
      %add3A_297 = arith.constant 4 : i32
      %add3A_298 = arith.addi %add3A_269, %add3A_297 : i32
      %lt3A_299 = arith.constant 125 : i32
      %lt3A_300 = arith.cmpi slt, %add3A_298, %lt3A_299 : i32
      %convert_element_type3A_301 = arith.extui %lt3A_300 : i1 to i32
      %cond3A_302 = arith.constant 0 : i32
      %cond3A_303 = arith.cmpi ne, %convert_element_type3A_301, %cond3A_302 : i32
      scf.if %cond3A_303 {
        %mul3A_305 = arith.constant 80 : i32
        %mul3A_306 = arith.muli %add3A_298, %mul3A_305 : i32
        %add3A_307 = arith.addi %mul3A_2, %mul3A_306 : i32
        %dma_start3A_308 = arith.constant 3 : i32
        %dma_start3A_309 = arith.constant 0 : i32
        %dma_start3A_310 = tpu.memref_slice %arg5[%dma_start3A_308, %dma_start3A_309] : memref<4x80xi32, #tpu.memory_space<vmem>> -> memref<1x80xi32, #tpu.memory_space<vmem>>
        %dma_start3A_311 = tpu.memref_squeeze %dma_start3A_310 : memref<1x80xi32, #tpu.memory_space<vmem>> -> memref<80xi32, #tpu.memory_space<vmem>>
        %dma_start3A_312 = tpu.memref_slice %arg3[%add3A_307] : memref<320000xi32, #tpu.memory_space<hbm>> -> memref<80xi32, #tpu.memory_space<hbm>>
        %dma_start3A_313 = arith.constant 0 : i32
        %dma_start3A_314 = tpu.memref_slice %arg5[%dma_start3A_308, %dma_start3A_313] : memref<4x80xi32, #tpu.memory_space<vmem>> -> memref<1x80xi32, #tpu.memory_space<vmem>>
        %dma_start3A_315 = tpu.memref_squeeze %dma_start3A_314 : memref<1x80xi32, #tpu.memory_space<vmem>> -> memref<80xi32, #tpu.memory_space<vmem>>
        %dma_start3A_316 = tpu.memref_slice %arg3[%add3A_307] : memref<320000xi32, #tpu.memory_space<hbm>> -> memref<80xi32, #tpu.memory_space<hbm>>
        tpu.enqueue_dma source(%dma_start3A_316 : memref<80xi32, #tpu.memory_space<hbm>>) target(%dma_start3A_315 : memref<80xi32, #tpu.memory_space<vmem>>) target_semaphore(%arg12 : memref<!tpu.dma_semaphore, #tpu.memory_space<semaphore_mem>>)
        %dma_start3A_317 = arith.constant 3 : i32
        %dma_start3A_318 = arith.constant 0 : i32
        %dma_start3A_319 = arith.constant 0 : i32
        %dma_start3A_320 = tpu.memref_slice %arg6[%dma_start3A_317, %dma_start3A_318, %dma_start3A_319] : memref<4x80x128xf32, #tpu.memory_space<vmem>> -> memref<1x80x128xf32, #tpu.memory_space<vmem>>
        %dma_start3A_321 = tpu.memref_squeeze %dma_start3A_320 : memref<1x80x128xf32, #tpu.memory_space<vmem>> -> memref<80x128xf32, #tpu.memory_space<vmem>>
        %dma_start3A_322 = arith.constant 0 : i32
        %dma_start3A_323 = tpu.memref_slice %arg2[%add3A_307, %dma_start3A_322] : memref<320000x128xf32, #tpu.memory_space<hbm>> -> memref<80x128xf32, #tpu.memory_space<hbm>>
        %dma_start3A_324 = arith.constant 0 : i32
        %dma_start3A_325 = arith.constant 0 : i32
        %dma_start3A_326 = tpu.memref_slice %arg6[%dma_start3A_317, %dma_start3A_324, %dma_start3A_325] : memref<4x80x128xf32, #tpu.memory_space<vmem>> -> memref<1x80x128xf32, #tpu.memory_space<vmem>>
        %dma_start3A_327 = tpu.memref_squeeze %dma_start3A_326 : memref<1x80x128xf32, #tpu.memory_space<vmem>> -> memref<80x128xf32, #tpu.memory_space<vmem>>
        %dma_start3A_328 = arith.constant 0 : i32
        %dma_start3A_329 = tpu.memref_slice %arg2[%add3A_307, %dma_start3A_328] : memref<320000x128xf32, #tpu.memory_space<hbm>> -> memref<80x128xf32, #tpu.memory_space<hbm>>
        tpu.enqueue_dma source(%dma_start3A_329 : memref<80x128xf32, #tpu.memory_space<hbm>>) target(%dma_start3A_327 : memref<80x128xf32, #tpu.memory_space<vmem>>) target_semaphore(%arg12 : memref<!tpu.dma_semaphore, #tpu.memory_space<semaphore_mem>>)
      } else {
      }
      %scan3A_304 = arith.constant 0 : i32
      scf.yield %scan3A_304 : i32
    }
    %scan3A_124 = arith.constant 31 : i32
    %add3A_125 = arith.constant 9920 : i32
    %add3A_126 = arith.addi %mul3A_2, %add3A_125 : i32
    %dma_wait3A = arith.constant 0 : i32
    %dma_wait3A_127 = arith.constant 0 : i32
    %dma_wait3A_128 = tpu.memref_slice %arg5[%dma_wait3A, %dma_wait3A_127] : memref<4x80xi32, #tpu.memory_space<vmem>> -> memref<1x80xi32, #tpu.memory_space<vmem>>
    %dma_wait3A_129 = tpu.memref_squeeze %dma_wait3A_128 : memref<1x80xi32, #tpu.memory_space<vmem>> -> memref<80xi32, #tpu.memory_space<vmem>>
    %dma_wait3A_130 = tpu.memref_slice %arg3[%add3A_126] : memref<320000xi32, #tpu.memory_space<hbm>> -> memref<80xi32, #tpu.memory_space<hbm>>
    %dma_wait3A_131 = arith.constant 0 : i32
    %dma_wait3A_132 = tpu.memref_slice %arg5[%dma_wait3A, %dma_wait3A_131] : memref<4x80xi32, #tpu.memory_space<vmem>> -> memref<1x80xi32, #tpu.memory_space<vmem>>
    %dma_wait3A_133 = tpu.memref_squeeze %dma_wait3A_132 : memref<1x80xi32, #tpu.memory_space<vmem>> -> memref<80xi32, #tpu.memory_space<vmem>>
    %dma_wait3A_134 = tpu.memref_slice %arg3[%add3A_126] : memref<320000xi32, #tpu.memory_space<hbm>> -> memref<80xi32, #tpu.memory_space<hbm>>
    tpu.wait_dma2 semaphore(%arg9 : memref<!tpu.dma_semaphore, #tpu.memory_space<semaphore_mem>>) src(%dma_wait3A_134 : memref<80xi32, #tpu.memory_space<hbm>>) dst(%dma_wait3A_133 : memref<80xi32, #tpu.memory_space<vmem>>)
    %dma_wait3A_135 = arith.constant 0 : i32
    %dma_wait3A_136 = arith.constant 0 : i32
    %dma_wait3A_137 = arith.constant 0 : i32
    %dma_wait3A_138 = tpu.memref_slice %arg6[%dma_wait3A_135, %dma_wait3A_136, %dma_wait3A_137] : memref<4x80x128xf32, #tpu.memory_space<vmem>> -> memref<1x80x128xf32, #tpu.memory_space<vmem>>
    %dma_wait3A_139 = tpu.memref_squeeze %dma_wait3A_138 : memref<1x80x128xf32, #tpu.memory_space<vmem>> -> memref<80x128xf32, #tpu.memory_space<vmem>>
    %dma_wait3A_140 = arith.constant 0 : i32
    %dma_wait3A_141 = tpu.memref_slice %arg2[%add3A_126, %dma_wait3A_140] : memref<320000x128xf32, #tpu.memory_space<hbm>> -> memref<80x128xf32, #tpu.memory_space<hbm>>
    %dma_wait3A_142 = arith.constant 0 : i32
    %dma_wait3A_143 = arith.constant 0 : i32
    %dma_wait3A_144 = tpu.memref_slice %arg6[%dma_wait3A_135, %dma_wait3A_142, %dma_wait3A_143] : memref<4x80x128xf32, #tpu.memory_space<vmem>> -> memref<1x80x128xf32, #tpu.memory_space<vmem>>
    %dma_wait3A_145 = tpu.memref_squeeze %dma_wait3A_144 : memref<1x80x128xf32, #tpu.memory_space<vmem>> -> memref<80x128xf32, #tpu.memory_space<vmem>>
    %dma_wait3A_146 = arith.constant 0 : i32
    %dma_wait3A_147 = tpu.memref_slice %arg2[%add3A_126, %dma_wait3A_146] : memref<320000x128xf32, #tpu.memory_space<hbm>> -> memref<80x128xf32, #tpu.memory_space<hbm>>
    tpu.wait_dma2 semaphore(%arg9 : memref<!tpu.dma_semaphore, #tpu.memory_space<semaphore_mem>>) src(%dma_wait3A_147 : memref<80x128xf32, #tpu.memory_space<hbm>>) dst(%dma_wait3A_145 : memref<80x128xf32, #tpu.memory_space<vmem>>)
    %run_scoped3A = arith.constant 0 : i32
    %run_scoped3A_148 = arith.constant 0 : i32
    "tpu.region"() ({
      %run_scoped3A_153 = tpu.sem_alloc : memref<!tpu.dma_semaphore, #tpu.memory_space<semaphore_mem>>
      %dma_start3A_154 = arith.constant 0 : i32
      %dma_start3A_155 = arith.constant 0 : i32
      %dma_start3A_156 = tpu.memref_slice %arg6[%run_scoped3A, %dma_start3A_154, %dma_start3A_155] : memref<4x80x128xf32, #tpu.memory_space<vmem>> -> memref<1x80x128xf32, #tpu.memory_space<vmem>>
      %dma_start3A_157 = tpu.memref_squeeze %dma_start3A_156 : memref<1x80x128xf32, #tpu.memory_space<vmem>> -> memref<80x128xf32, #tpu.memory_space<vmem>>
      %dma_start3A_158 = arith.constant 0 : i32
      %dma_start3A_159 = tpu.memref_slice %arg5[%run_scoped3A_148, %dma_start3A_158] : memref<4x80xi32, #tpu.memory_space<vmem>> -> memref<1x80xi32, #tpu.memory_space<vmem>>
      %dma_start3A_160 = tpu.memref_squeeze %dma_start3A_159 : memref<1x80xi32, #tpu.memory_space<vmem>> -> memref<80xi32, #tpu.memory_space<vmem>>
      %dma_start3A_161 = arith.constant 0 : i32
      %dma_start3A_162 = arith.constant 0 : i32
      %dma_start3A_163 = tpu.memref_slice %arg8[%dma_start3A_161, %dma_start3A_162] : memref<10240x128xf32, #tpu.memory_space<vmem_shared>> -> memref<10240x128xf32, #tpu.memory_space<vmem_shared>>
      tpu.enqueue_indirect_dma source(%dma_start3A_157 : memref<80x128xf32, #tpu.memory_space<vmem>>) target(%dma_start3A_163 : memref<10240x128xf32, #tpu.memory_space<vmem_shared>>) offsets(%dma_start3A_160 : memref<80xi32, #tpu.memory_space<vmem>>) semaphore(%run_scoped3A_153 : memref<!tpu.dma_semaphore, #tpu.memory_space<semaphore_mem>>) {add = true}
      %dma_wait3A_164 = arith.constant 0 : i32
      %dma_wait3A_165 = arith.constant 0 : i32
      %dma_wait3A_166 = tpu.memref_slice %arg6[%run_scoped3A, %dma_wait3A_164, %dma_wait3A_165] : memref<4x80x128xf32, #tpu.memory_space<vmem>> -> memref<1x80x128xf32, #tpu.memory_space<vmem>>
      %dma_wait3A_167 = tpu.memref_squeeze %dma_wait3A_166 : memref<1x80x128xf32, #tpu.memory_space<vmem>> -> memref<80x128xf32, #tpu.memory_space<vmem>>
      %dma_wait3A_168 = arith.constant 0 : i32
      %dma_wait3A_169 = tpu.memref_slice %arg5[%run_scoped3A_148, %dma_wait3A_168] : memref<4x80xi32, #tpu.memory_space<vmem>> -> memref<1x80xi32, #tpu.memory_space<vmem>>
      %dma_wait3A_170 = tpu.memref_squeeze %dma_wait3A_169 : memref<1x80xi32, #tpu.memory_space<vmem>> -> memref<80xi32, #tpu.memory_space<vmem>>
      %dma_wait3A_171 = arith.constant 0 : i32
      %dma_wait3A_172 = arith.constant 0 : i32
      %dma_wait3A_173 = tpu.memref_slice %arg8[%dma_wait3A_171, %dma_wait3A_172] : memref<10240x128xf32, #tpu.memory_space<vmem_shared>> -> memref<10240x128xf32, #tpu.memory_space<vmem_shared>>
      tpu.wait_indirect_dma semaphore(%run_scoped3A_153 : memref<!tpu.dma_semaphore, #tpu.memory_space<semaphore_mem>>) src(%dma_wait3A_167 : memref<80x128xf32, #tpu.memory_space<vmem>>) dst(%dma_wait3A_173 : memref<10240x128xf32, #tpu.memory_space<vmem_shared>>)
      tpu.yield
    }) : () -> ()
    %barrier3A = arith.constant 0 : index
    tpu.barrier barrier_id(%barrier3A)
    %mul3A_149 = arith.constant 640 : i32
    %mul3A_150 = arith.muli %arg1, %mul3A_149 : i32
    %mul3A_151 = arith.constant 640 : i32
    %mul3A_152 = arith.muli %arg1, %mul3A_151 : i32
    "tpu.region"() ({
      %run_scoped3A_153 = tpu.sem_alloc : memref<!tpu.dma_semaphore, #tpu.memory_space<semaphore_mem>>
      %dma_start3A_154 = arith.constant 0 : i32
      %dma_start3A_155 = tpu.memref_slice %arg4[%arg0, %mul3A_152, %dma_start3A_154] : memref<2x10240x128xf32, #tpu.memory_space<hbm>> -> memref<1x640x128xf32, #tpu.memory_space<hbm>>
      %dma_start3A_156 = tpu.memref_squeeze %dma_start3A_155 : memref<1x640x128xf32, #tpu.memory_space<hbm>> -> memref<640x128xf32, #tpu.memory_space<hbm>>
      %dma_start3A_157 = arith.constant 0 : i32
      %dma_start3A_158 = tpu.memref_slice %arg8[%mul3A_150, %dma_start3A_157] : memref<10240x128xf32, #tpu.memory_space<vmem_shared>> -> memref<640x128xf32, #tpu.memory_space<vmem_shared>>
      tpu.enqueue_dma source(%dma_start3A_158 : memref<640x128xf32, #tpu.memory_space<vmem_shared>>) target(%dma_start3A_156 : memref<640x128xf32, #tpu.memory_space<hbm>>) target_semaphore(%run_scoped3A_153 : memref<!tpu.dma_semaphore, #tpu.memory_space<semaphore_mem>>)
      %dma_wait3A_159 = arith.constant 0 : i32
      %dma_wait3A_160 = tpu.memref_slice %arg4[%arg0, %mul3A_152, %dma_wait3A_159] : memref<2x10240x128xf32, #tpu.memory_space<hbm>> -> memref<1x640x128xf32, #tpu.memory_space<hbm>>
      %dma_wait3A_161 = tpu.memref_squeeze %dma_wait3A_160 : memref<1x640x128xf32, #tpu.memory_space<hbm>> -> memref<640x128xf32, #tpu.memory_space<hbm>>
      %dma_wait3A_162 = arith.constant 0 : i32
      %dma_wait3A_163 = tpu.memref_slice %arg8[%mul3A_150, %dma_wait3A_162] : memref<10240x128xf32, #tpu.memory_space<vmem_shared>> -> memref<640x128xf32, #tpu.memory_space<vmem_shared>>
      tpu.wait_dma2 semaphore(%run_scoped3A_153 : memref<!tpu.dma_semaphore, #tpu.memory_space<semaphore_mem>>) src(%dma_wait3A_163 : memref<640x128xf32, #tpu.memory_space<vmem_shared>>) dst(%dma_wait3A_161 : memref<640x128xf32, #tpu.memory_space<hbm>>)
      tpu.yield
    }) : () -> ()
    return
  }
}

module attributes {stable_mosaic.version = 14 : i64} {
  func.func @_add_body(%arg0: i32, %arg1: memref<2x1000x128xf32, #tpu.memory_space<vmem>>, %arg2: memref<1000x128xf32, #tpu.memory_space<vmem>>) attributes {dimension_semantics = [#tpu.dimension_semantics<arbitrary>], iteration_bounds = array<i64: 10>, scalar_prefetch = 0 : i64, scratch_operands = 0 : i64, tpu.core_type = #tpu.core_type<tc>, window_params = [{transform_indices = @transform_0, window_bounds = array<i64: 2, 1000, 128>}, {transform_indices = @transform_1, window_bounds = array<i64: 1000, 128>}]} {
    %get3A = arith.constant 0 : index
    %get3A_0 = arith.constant 0 : index
    %get3A_1 = arith.constant 0 : index
    %get3A_2 = vector.load %arg1[%get3A, %get3A_0, %get3A_1] : memref<2x1000x128xf32, #tpu.memory_space<vmem>>, vector<1x1000x128xf32>
    %get3A_3 = vector.shape_cast %get3A_2 : vector<1x1000x128xf32> to vector<1000x128xf32>
    %get3A_4 = arith.constant 1 : index
    %get3A_5 = arith.constant 0 : index
    %get3A_6 = arith.constant 0 : index
    %get3A_7 = vector.load %arg1[%get3A_4, %get3A_5, %get3A_6] : memref<2x1000x128xf32, #tpu.memory_space<vmem>>, vector<1x1000x128xf32>
    %get3A_8 = vector.shape_cast %get3A_7 : vector<1x1000x128xf32> to vector<1000x128xf32>
    %add3A = arith.addf %get3A_3, %get3A_8 : vector<1000x128xf32>
    %swap3A = arith.constant 0 : index
    %swap3A_9 = arith.constant 0 : index
    %swap3A_10 = vector.load %arg2[%swap3A, %swap3A_9] : memref<1000x128xf32, #tpu.memory_space<vmem>>, vector<1000x128xf32>
    tpu.vector_store %arg2[%swap3A, %swap3A_9], %add3A {strides = array<i32>} : memref<1000x128xf32, #tpu.memory_space<vmem>>, vector<1000x128xf32>,
    return
  }
  func.func @transform_0(%arg0: i32) -> (i32, i32, i32) {
    %c0_i32 = arith.constant 0 : i32
    %c0_i32_0 = arith.constant 0 : i32
    %c0_i32_1 = arith.constant 0 : i32
    return %c0_i32, %arg0, %c0_i32_0 : i32, i32, i32
  }
  func.func @transform_1(%arg0: i32) -> (i32, i32) {
    %c0_i32 = arith.constant 0 : i32
    %c0_i32_0 = arith.constant 0 : i32
    return %arg0, %c0_i32 : i32, i32
  }
}

</mosaic_0001>

<sc_bundles>
// kernel: kernel.4.cloned.1.call-start
scs
__scs_entry_jumppad:
0x0: {  	(pc) =	sbr.rel $0x88, $3  }
0x1: {  	(tag) =	ssettag $0x0;
	lr =	simm.s32 $0x1  }
0x2: {  	[smem:$0x3F9F] =	sst lr;
	_ =	strace $0xD0000000  }
0x3: {  	_ = 	snop  }
0x4: {  	_ = 	snop  }
0x5: {  	_ = 	snop  }
0x6: {  	_ = 	snop  }
0x7: {  	_ = 	snop  }
__scs_overlays_trampoline_lowered:
0x8: {  	[smem:$0x3FAE] =	sst s0  }
0x9: {  	[smem:$0x3FAF] =	sst s1  }
0xa: {  	[smem:$0x3FB0] =	sst s2  }
0xb: {  	[smem:$0x3FB1] =	sst s3  }
0xc: {  	[smem:$0x3FB2] =	sst s4  }
0xd: {  	[smem:$0x3FB3] =	sst s5  }
0xe: {  	[smem:$0x3FB4] =	sst s6  }
0xf: {  	[smem:$0x3FB5] =	sst s7  }
0x10: {  	[smem:$0x3FB6] =	sst s8  }
0x11: {  	[smem:$0x3FB7] =	sst s9;
	s0 =	simm.s32 @!p0 $0x0  }
0x12: {  	s1 =	sld [smem:$0x3F9D];
	s0 =	simm.s32 @p0 $0x1  }
0x13: {  	[smem:$0x3FB8] =	sst s0;
	s0 =	simm.s32 @!p1 $0x0  }
0x14: {  	s2 =	sld [smem:$0x3F9C];
	s0 =	simm.s32 @p1 $0x1  }
0x15: {  	[smem:$0x3FB9] =	sst s0;
	s0 =	simm.s32 @!p2 $0x0  }
0x16: {  	s3 =	sld [smem:$0x3FDB];
	s0 =	simm.s32 @p2 $0x1  }
0x17: {  	s4 =	simm.s32 $0x1BF5;
	[smem:$0x3FBB] =	sst s0  }
0x18: {  	s0 =	sld [smem:$0x3F9E];
	_ =	swait.ge [sflag:s4], $0x0  }
0x19: {  	s7 =	sld [smem:$0x3F9F]  }
0x1a: {  	s8 =	sadd.s32 $0xFFFFE003, lr  }
0x1b: {  	s9 =	sadd.s32 $0xFFFFFEF7, lr;
	s5 =	simm.s32 $0xFFFFFFFF;
	p2 =	slt.u32 s8, $0xFFFFF086  }
0x1c: {  	p1 =	slt.u32 s9, $0xF7A;
	s5 =	simm.s32 @!p2 $0x0  }
0x1d: {  	s5 =	simm.s32 @p1 $0x1;
	p0 =	seq.s32 s7, s2  }
0x1e: {  	s7 =	smul.u32 @!p0 $0xF7A, s2;
	p2 =	seq.s32 @!p0 s5, $0x0  }
0x1f: {  	s9 =	smul.u32 $0xF7A, s1;
	s8 =	simm.s32 @!p0 $0x1BF5;
	p2 =	por !p2, p0  }
0x20: {  	[sflag:s8] =	ssyncset.s32 @!p0 $0xFFFFF086;
	s6 =	sadd.s32 @!p0 s3, s7;
	s7 =	simm.s32 @!p0 $0x108  }
0x21: {  	s3 =	sadd.s32 s3, s9;
	s6 =	sadd.s32 @!p0 $0x88, s6;
	s7 =	simm.s32 @p2 $0x1082  }
0x22: {  	[simem:s7], [sflag:s8] =	dma.local @!p0 [hbm:s6], $0xF7A  }
0x23: {  	s9 =	sor.u32 $0xD0000000, s2;
	s6 =	simm.s32 $0x108;
	_ =	swait.ge @!p0 [sflag:s8], $0x0  }
0x24: {  	s3 =	sadd.s32 $0x88, s3;
	s6 =	simm.s32 @!p1 $0x1082;
	[sflag:s4] =	ssyncset.s32 $0xFFFFF086  }
0x25: {  	[simem:s6], [sflag:s4] =	dma.local [hbm:s3], $0xF7A  }
0x26: {  	[smem:$0x3F9F] =	sst s1;
	(tag) =	ssettag s2;
	_ =	strace s9  }
0x27: {  	s1 =	sld [smem:$0x3FAF]  }
0x28: {  	s2 =	sld [smem:$0x3FB0]  }
0x29: {  	s4 =	sld [smem:$0x3FB2]  }
0x2a: {  	p0 =	seq.s32 s5, $0x0;
	s5 =	sld [smem:$0x3FB3]  }
0x2b: {  	s6 =	sld [smem:$0x3FB4]  }
0x2c: {  	s7 =	sld [smem:$0x3FB5]  }
0x2d: {  	s3 =	simm.s32 $0x108;
	s8 =	sld [smem:$0x3FB6]  }
0x2e: {  	s3 =	simm.s32 @!p0 $0x1082;
	s9 =	sld [smem:$0x3FB7]  }
0x2f: {  	lr =	sadd.s32 s0, s3;
	s0 =	sld [smem:$0x3FAE]  }
0x30: {  	s3 =	sld [smem:$0x3FB1]  }
0x31: {  	[smem:$0x3FBA] =	sst s10  }
0x32: {  	s10 =	sld [smem:$0x3FB8];
	_ =	sdelay $0x3  }
0x33: {  	p0 =	seq.s32 s10, $0x1;
	s10 =	sld [smem:$0x3FBA];
	_ =	sdelay $0x3  }
0x34: {  	[smem:$0x3FBA] =	sst s10  }
0x35: {  	s10 =	sld [smem:$0x3FB9];
	_ =	sdelay $0x3  }
0x36: {  	p1 =	seq.s32 s10, $0x1;
	s10 =	sld [smem:$0x3FBA];
	_ =	sdelay $0x3  }
0x37: {  	[smem:$0x3FBA] =	sst s10  }
0x38: {  	s10 =	sld [smem:$0x3FBB]  }
0x39: {  	_ = 	snop;
	(pc) =	sbr.ind lr, $3  }
0x3a: {  	_ = 	snop  }
0x3b: {  	_ = 	snop  }
0x3c: {  	p2 =	seq.s32 s10, $0x1;
	s10 =	sld [smem:$0x3FBA]  }
0x3d: {  	_ =	shalt  }
0x3e: {  	_ =	shalt  }
0x3f: {  	_ =	shalt  }
0x40: {  	_ =	shalt  }
0x41: {  	_ =	shalt  }
0x42: {  	_ =	shalt  }
0x43: {  	_ =	shalt  }
0x44: {  	_ =	shalt  }
0x45: {  	_ =	shalt  }
0x46: {  	_ =	shalt  }
0x47: {  	_ =	shalt  }
0x48: {  	_ =	shalt  }
0x49: {  	_ =	shalt  }
0x4a: {  	_ =	shalt  }
0x4b: {  	_ =	shalt  }
0x4c: {  	_ =	shalt  }
0x4d: {  	_ =	shalt  }
0x4e: {  	_ =	shalt  }
0x4f: {  	_ =	shalt  }
0x50: {  	_ =	shalt  }
0x51: {  	_ =	shalt  }
0x52: {  	_ =	shalt  }
0x53: {  	_ =	shalt  }
0x54: {  	_ =	shalt  }
0x55: {  	_ =	shalt  }
0x56: {  	_ =	shalt  }
0x57: {  	_ =	shalt  }
0x58: {  	_ =	shalt  }
0x59: {  	_ =	shalt  }
0x5a: {  	_ =	shalt  }
0x5b: {  	_ =	shalt  }
0x5c: {  	_ =	shalt  }
0x5d: {  	_ =	shalt  }
0x5e: {  	_ =	shalt  }
0x5f: {  	_ =	shalt  }
0x60: {  	_ =	shalt  }
0x61: {  	_ =	shalt  }
0x62: {  	_ =	shalt  }
0x63: {  	_ =	shalt  }
0x64: {  	_ =	shalt  }
0x65: {  	_ =	shalt  }
0x66: {  	_ =	shalt  }
0x67: {  	_ =	shalt  }
0x68: {  	_ =	shalt  }
0x69: {  	_ =	shalt  }
0x6a: {  	_ =	shalt  }
0x6b: {  	_ =	shalt  }
0x6c: {  	_ =	shalt  }
0x6d: {  	_ =	shalt  }
0x6e: {  	_ =	shalt  }
0x6f: {  	_ =	shalt  }
0x70: {  	_ =	shalt  }
0x71: {  	_ =	shalt  }
0x72: {  	_ =	shalt  }
0x73: {  	_ =	shalt  }
0x74: {  	_ =	shalt  }
0x75: {  	_ =	shalt  }
0x76: {  	_ =	shalt  }
0x77: {  	_ =	shalt  }
0x78: {  	_ =	shalt  }
0x79: {  	_ =	shalt  }
0x7a: {  	_ =	shalt  }
0x7b: {  	_ =	shalt  }
0x7c: {  	_ =	shalt  }
0x7d: {  	_ =	shalt  }
0x7e: {  	_ =	shalt  }
0x7f: {  	_ =	shalt  }
0x80: {  	_ =	shalt  }
0x81: {  	_ =	shalt  }
0x82: {  	_ =	shalt  }
0x83: {  	_ =	shalt  }
0x84: {  	_ =	shalt  }
0x85: {  	_ =	shalt  }
0x86: {  	_ =	shalt  }
0x87: {  	_ =	shalt  }
.Lfunc_end0:
.L_simem_size_0:
called_computation_lowered:
.L_overlay_start_0:
0x88: {  	s2 =	sld [smem:$0x3FD9]  }
0x89: {  	s3 =	sld [smem:$0x3FFE];
	_ =	sdelay $0x1  }
0x8a: {  	s1 =	srdreg.scid  }
0x8b: {  	s0 =	sand.u32 $0x1, s1  }
0x8c: {  	s17 =	sshll.u32 s0, $0xA;
	s2 =	sadd.s32 s3, s2  }
0x8d: {  	s2 =	sadd.s32 s2, s17  }
0x8e: {  	[smem:$0x3FC6] =	sst s2  }
0x8f: {  	_ = 	snop  }
0x90: {  	s2 =	sld [smem:$0x3FC9]  }
0x91: {  	s18 =	sld [smem:$0x3FC8];
	(tm) =	ssettm $0x1  }
0x92: {  	s4 =	sld [smem:$0x3FFB];
	_ =	sdelay $0x3  }
0x93: {  	_ =	strace s4  }
0x94: {  	s4 =	sld [smem:$0x3FFC];
	_ =	sdelay $0x3  }
0x95: {  	_ =	strace s4  }
0x96: {  	s4 =	sld [smem:$0x3FFD];
	_ =	sdelay $0x3  }
0x97: {  	_ =	strace s4  }
0x98: {  	_ =	strace $0x8FFFFFFF  }
0x99: {  	s19 =	sld [smem:$0x3FDB];
	_ =	sdelay $0x1  }
0x9a: {  	s5 =	simm.s32 $_scs_section_size  }
0x9b: {  	s6 =	simm.s32 $_size__tile_overlayer_lowered;
	s7 =	simm.s32 $_tile_overlayer_lowered  }
0x9c: {  	s22 =	simm.s32 $0x1BFF;
	s21 =	sshll.u32 s7, $0x1;
	s4 =	sadd.s32 s5, s19  }
0x9d: {  	s8 =	simm.s32 $0x0;
	s20 =	sshll.u32 s6, $0x1;
	s6 =	sadd.s32 s21, s4  }
0x9e: {  	[timem:s8], [sflag:s22] =	dma.local [hbm:s6], s20  }
0x9f: {  	_ =	swait.ge [sflag:s22], s20  }
0xa0: {  	s5 =	ssub.s32 $0x0, s20;
	[sflag:s22] =	ssyncset.done $0x0  }
0xa1: {  	[sflag:s22] =	ssyncadd.s32 s5;
	_ =	sdelay $0x1  }
0xa2: {  	s23 =	simm.s32 $0x1B8B  }
0xa3: {  	_ =	swait.ge [sflag:s23], $0x1  }
0xa4: {  	[sflag:s23] =	ssyncset.done $0x0  }
0xa5: {  	s25 =	simm.s32 $0x1B8E;
	s24 =	sld [smem:$0x3FFE];
	[sflag:s23] =	ssyncadd.s32 $0xFFFFFFFF  }
0xa6: {  	s26 =	simm.s32 $execute0_lowered;
	[smem:$0x3FD2] =	sst s25  }
0xa7: {  	s6 =	sshll.u32 s26, $0x1;
	_ =	strace $0x80000046;
	[dreg:$0x1] =	wrdreg $0xFFFFFFFF  }
0xa8: {  	s28 =	simm.s32 $_size_execute0_lowered;
	s4 =	sadd.s32 s4, s6;
	[dreg:$0x0] =	wrdreg $0x0  }
0xa9: {  	s6 =	sshll.u32 s28, $0x1;
	[dreg:$0x2] =	wrdreg s4  }
0xaa: {  	[dreg:$0x3] =	wrdreg s6  }
0xab: {  	[dreg:$0x4] =	wrdreg $0xC0  }
0xac: {  	_ =	task [dreg:s8], $0x5FFFF  }
0xad: {  	[dreg:$0x1] =	wrdreg $0xFFFFFFFF  }
0xae: {  	[dreg:$0x0] =	wrdreg $0x60  }
0xaf: {  	[dreg:$0x2] =	wrdreg s2  }
0xb0: {  	[dreg:$0x3] =	wrdreg s18  }
0xb1: {  	[dreg:$0x4] =	wrdreg s24  }
0xb2: {  	[dreg:$0x5] =	wrdreg $0xB2000  }
0xb3: {  	[dreg:$0x6] =	wrdreg $0x9  }
0xb4: {  	_ =	task.clear_ibuf [dreg:s8], $0x7FFFF;
	_ =	strace $0x90000046  }
0xb5: {  	s29 =	simm.s32 $0x9;
	_ =	strace $0x80000048  }
0xb6: {  	_ =	swait.ge [sflag:s29], $0x1  }
0xb7: {  	[sflag:s29] =	ssyncadd.s32 $0xFFFFFFFF  }
0xb8: {  	_ =	strace $0x90000048  }
0xb9: {  	_ =	sfence  }
0xba: {  	s30 =	sld [smem:$0x0];
	_ =	sdelay $0x2  }
0xbb: {  	s31 =	sshll.u32 s1, $0xD;
	s1 =	sshrl.u32 s1, $0x2  }
0xbc: {  	s3 =	sand.u32 $0x4000, s31;
	s1 =	sadd.s32 s1, s30  }
0xbd: {  	s0 =	sor.u32 s3, s0;
	s1 =	sshll.u32 s1, $0x11  }
0xbe: {  	s0 =	sor.u32 s1, s0  }
0xbf: {  	s0 =	sadd.s32 $0x8F2B, s0  }
0xc0: {  	[sflag:s0] =	ssyncadd.remote.s32 $0x1  }
0xc1: {  	_ =	sfence.sel $0xFFFF  }
0xc2: {  	[dreg:$0x0] =	wrdreg $0xFFFFFFFF;
	(pc) =	sbr.abs _section_cstart, $3  }
0xc3: {  	[dreg:$0x1] =	wrdreg $0xFFFFFFFF  }
0xc4: {  	_ =	task.clear_ibuf [dreg:s8], $0x2FFFF;
	_ =	strace $0x9FFFFFFF  }
0xc5: {  	(tm) =	ssettm $0x7FFFFFFF  }
tec
execute0_lowered:
.L_overlay_start_1:
0x0: {  	(tag) =	ssettag $0x1  }
0x1: {  	s1 =	rddreg [dreg:$0x0];
	s12 =	stileid.u32  }
0x2: {  	s0 =	rddreg [dreg:$0x1];
	s7 =	smul.u32 $0x14000, s12  }
0x3: {  	s4 =	srdreg.scid;
	s24 =	smul.u32 $0x27100, s12  }
0x4: {  	s2 =	rddreg [dreg:$0x2];
	s5 =	sand.u32 $0x1, s4;
	s31 =	smul.u32 $0x2710, s12  }
0x5: {  	s3 =	rddreg [dreg:$0x3];
	s4 =	simm.s32 $0x0;
	s6 =	smul.u32 $0x140000, s5  }
0x6: {  	[smem:$0x7FF] =	sst s4;
	s8 =	sshll.u32 s5, $0x4;
	s23 =	smul.u32 $0x271000, s5  }
0x7: {  	s10 =	ssub.s32 $0x2, s5;
	s26 =	smul.u32 $0x27100, s5;
	s8 =	sor.u32 s12, s8  }
0x8: {  	_ =	strace $0x80000047;
	s6 =	sadd.s32 s7, s6;
	s9 =	smul.u32 $0x2710, s8  }
0x9: {  	s11 =	sshrl.u32 s10, $0x1;
	s7 =	smul.u32 $0x27100, s8;
	s6 =	sshrl.u32 s6, $0x3  }
0xa: {  	s2 =	sadd.s32 s6, s2;
	s6 =	ssub.s32 s10, s11;
	s13 =	sshrl.u32 s9, $0x3  }
0xb: {  	s10 =	sadd.s32 $0x50, s9;
	s7 =	sadd.s32 s1, s7;
	s16 =	sadd.s32 $0xA0, s9  }
0xc: {  	s9 =	sadd.s32 $0xF0, s9;
	s11 =	smul.u32 $0x50000, s12;
	s12 =	sadd.s32 s31, s26  }
0xd: {  	s8 =	sadd.s32 s0, s13;
	[dreg:$0x6] =	wrdreg s7;
	s14 =	sshrl.u32 s10, $0x3  }
0xe: {  	s15 =	sshll.u32 s10, $0x4;
	s2 =	sadd.s32 $0x600, s2;
	[dreg:$0x5] =	wrdreg s8  }
0xf: {  	s17 =	sshrl.u32 s16, $0x3;
	s25 =	smax.u32 s6, $0x1;
	[dreg:$0xd] =	wrdreg s2  }
0x10: {  	s18 =	sshrl.u32 s9, $0x3;
	s7 =	sadd.s32 s0, s14;
	[dreg:$0xe] =	wrdreg s25  }
0x11: {  	s5 =	sadd.s32 $0x1E0, s12;
	s20 =	sadd.s32 s0, s18;
	[dreg:$0x7] =	wrdreg s7  }
0x12: {  	s8 =	sshll.u32 s16, $0x4;
	s7 =	sadd.s32 s1, s15;
	[dreg:$0xb] =	wrdreg s20  }
0x13: {  	s5 =	sshrl.u32 s5, $0x3;
	s19 =	sadd.s32 s1, s8;
	[dreg:$0x8] =	wrdreg s7  }
0x14: {  	s22 =	sshrl.u32 s11, $0x2;
	s15 =	sadd.s32 s5, s0;
	[dreg:$0xa] =	wrdreg s19  }
0x15: {  	s13 =	sadd.s32 s22, s3;
	s7 =	sadd.s32 s0, s17;
	[dreg:$0x15] =	wrdreg s15  }
0x16: {  	s29 =	sadd.s32 $0x1000, s13;
	[dreg:$0x9] =	wrdreg s7  }
0x17: {  	s30 =	sadd.s32 $0x2000, s13;
	[dreg:$0xf] =	wrdreg s29  }
0x18: {  	s2 =	sadd.s32 $0x230, s12;
	s8 =	sadd.s32 $0x3000, s13;
	[dreg:$0x10] =	wrdreg s30  }
0x19: {  	s14 =	sadd.s32 $0x190, s12;
	s10 =	sadd.s32 $0x4000, s13;
	[dreg:$0x11] =	wrdreg s8  }
0x1a: {  	s2 =	sshrl.u32 s2, $0x3;
	s11 =	sadd.s32 $0x5000, s13;
	[dreg:$0x12] =	wrdreg s10  }
0x1b: {  	s6 =	sshrl.u32 s14, $0x3;
	s2 =	sadd.s32 s2, s0;
	[dreg:$0x13] =	wrdreg s11  }
0x1c: {  	s16 =	sadd.s32 s6, s0;
	[dreg:$0x14] =	wrdreg s2  }
0x1d: {  	s28 =	simm.s32 $0x0;
	s17 =	sadd.s32 $0x6000, s13;
	[dreg:$0x16] =	wrdreg s16  }
0x1e: {  	s21 =	sshll.u32 s9, $0x4;
	s18 =	sadd.s32 $0x7000, s13;
	[dreg:$0x18] =	wrdreg s17  }
0x1f: {  	s14 =	simm.s32 $0x80;
	s19 =	sadd.s32 $0x8000, s13;
	[dreg:$0x19] =	wrdreg s18  }
0x20: {  	s20 =	sadd.s32 $0x9000, s13;
	s22 =	sadd.s32 $0xA000, s13;
	[dreg:$0x1a] =	wrdreg s19  }
0x21: {  	s25 =	sadd.s32 $0xD000, s13;
	s26 =	sadd.s32 $0xE000, s13;
	[dreg:$0x1b] =	wrdreg s20  }
0x22: {  	s31 =	sadd.s32 $0x11000, s13;
	s15 =	simm.s32 $0x2A00;
	[dreg:$0x1c] =	wrdreg s22  }
0x23: {  	s7 =	sadd.s32 s1, s21;
	s1 =	sadd.s32 s23, s1;
	[dreg:$0x1f] =	wrdreg s25  }
0x24: {  	s23 =	sadd.s32 $0xB000, s13;
	[smem:$0x7FA] =	sst s26;
	s29 =	sadd.s32 $0xF000, s13  }
0x25: {  	s30 =	sadd.s32 $0x10000, s13;
	[smem:$0x7FD] =	sst s31;
	s10 =	sadd.s32 $0x12000, s13  }
0x26: {  	s11 =	sadd.s32 $0x13000, s13;
	s16 =	simm.s32 $0x180;
	s17 =	simm.s32 $0x7A00  }
0x27: {  	s18 =	simm.s32 $0xA200;
	s19 =	simm.s32 $0x5;
	[dreg:$0xc] =	wrdreg s7  }
.Ltmp0:
0x28: {  	s20 =	simm.s32 $0x1;
	[dreg:$0x1d] =	wrdreg s23;
	(pc) =	sbr.rel .LBB2_1-.Ltmp0, $4  }
0x29: {  	s22 =	simm.s32 $0x50;
	s26 =	simm.s32 $0x2;
	[smem:$0x7FB] =	sst s29  }
0x2a: {  	s21 =	sadd.s32 s24, s1;
	s1 =	sadd.s32 $0x140, s12;
	[smem:$0x7FC] =	sst s30  }
0x2b: {  	s24 =	sadd.s32 $0xC000, s13;
	s12 =	simm.s32 $0x200;
	[dreg:$0x17] =	wrdreg s1  }
0x2c: {  	v0 =	vimm.f32 $0.0e+00;
	s23 =	simm.s32 $0x6;
	[dreg:$0x1e] =	wrdreg s24;
	s24 =	simm.s32 $0x4  }
.LBB2_6:
0x2d: {  	_ =	swait.ge [sflag:s20], $0x50  }
0x2e: {  	[sflag:s20] =	ssyncset.done $0x0  }
0x2f: {  	[sflag:s20] =	ssyncadd.s32 $0xFFFFFFB0  }
0x30: {  	_ =	swait.ge [sflag:s20], $0x2800  }
0x31: {  	[sflag:s20] =	ssyncset.done $0x0  }
0x32: {  	[sflag:s20] =	ssyncadd.s32 $0xFFFFD800  }
0x33: {  	[spmem:s3] =	stream.indirect.scatter.add.f32 [tilespmem:s12], [sflag:$0x6], $0x80, s4, s22, $0xb8;
	[tilespmem:$0x1F200] =	vst v63  }
0x34: {  	_ =	swait.ge [sflag:s23], $0x2800  }
0x35: {  	[sflag:s23] =	ssyncset.done $0x0  }
0x36: {  	s1 =	stileid.u32;
	[sflag:s23] =	ssyncadd.s32 $0xFFFFD800  }
0x37: {  	s1 =	sshll.u32 s1, $0x6;
	[bflag:$0x0] =	sbarrier.arrive $0xFFFF  }
0x38: {  	s2 =	sshrl.u32 s13, $0x3;
	s1 =	sor.u32 $0x1C06, s1;
	s5 =	rddreg [dreg:$0xd]  }
0x39: {  	[hbm:s5], [sflag:s1] =	dma.local [spmem:s2], $0x2800  }
0x3a: {  	_ =	swait.ge [sflag:s23], $0x2800  }
0x3b: {  	s28 =	sadd.s32 $0x1, s28;
	s31 =	rddreg [dreg:$0xe]  }
0x3c: {  	p0 =	sne.s32 s28, s31  }
.Ltmp1:
0x3d: {  	_ = 	snop;
	(pc) =	sbr.rel @!p0 .LBB2_7-.Ltmp1, $3  }
0x3e: {  	_ =	sdelay $0x1  }
0x3f: {  	[sflag:s23] =	ssyncset.done $0x0  }
0x40: {  	[sflag:s23] =	ssyncadd.s32 $0xFFFFD800  }
.LBB2_1:
0x41: {  	s1 =	rddreg [dreg:$0x5]  }
0x42: {  	[tilespmem:s4], [sflag:$0x1] =	stream.linear.gather [hbm4b:s1+s4], $0x50, $0x38;
	[tilespmem:$0x1F200] =	vst v63  }
0x43: {  	s2 =	rddreg [dreg:$0x6]  }
0x44: {  	[tilespmem:s12], [sflag:$0x1] =	stream.linear.gather [hbm4b:s2+s4], $0x2800, $0x38;
	[tilespmem:$0x1F200] =	vst v63  }
0x45: {  	s5 =	rddreg [dreg:$0x7]  }
0x46: {  	[tilespmem:s14], [sflag:$0x2] =	stream.linear.gather [hbm4b:s5+s4], $0x50, $0x38;
	[tilespmem:$0x1F200] =	vst v63  }
0x47: {  	s6 =	rddreg [dreg:$0x8]  }
0x48: {  	[tilespmem:s15], [sflag:$0x2] =	stream.linear.gather [hbm4b:s6+s4], $0x2800, $0x38;
	[tilespmem:$0x1F200] =	vst v63  }
0x49: {  	s7 =	rddreg [dreg:$0x9];
	s2 =	simm.s32 $0x100  }
0x4a: {  	[tilespmem:s2], [sflag:$0x3] =	stream.linear.gather [hbm4b:s7+s4], $0x50, $0x38;
	[tilespmem:$0x1F200] =	vst v63  }
0x4b: {  	s8 =	rddreg [dreg:$0xa];
	s9 =	simm.s32 $0x5200  }
0x4c: {  	[tilespmem:s9], [sflag:$0x3] =	stream.linear.gather [hbm4b:s8+s4], $0x2800, $0x38;
	[tilespmem:$0x1F200] =	vst v63  }
0x4d: {  	s25 =	rddreg [dreg:$0xb];
	s30 =	sand.u32 $0x3E00, s4  }
0x4e: {  	[tilespmem:s16], [sflag:$0x4] =	stream.linear.gather [hbm4b:s25+s4], $0x50, $0x38;
	[tilespmem:$0x1F200] =	vst v63  }
0x4f: {  	s29 =	rddreg [dreg:$0xc];
	s31 =	sand.u32 $0x70, s4;
	s25 =	sshrl.u32 s30, $0x2  }
0x50: {  	s1 =	simm.s32 $0x40;
	s2 =	simm.s32 $0x0;
	s25 =	sor.u32 s31, s25  }
0x51: {  	[tilespmem:s17], [sflag:$0x4] =	stream.linear.gather [hbm4b:s29+s4], $0x2800, $0x38;
	[tilespmem:$0x1F200] =	vst v63  }
.LBB2_2:
0x52: {  	p0 =	sne.s32 s1, $0x3FC0  }
0x53: {  	[tilespmem:s25+$0xA200] =	vst v0;
	s2 =	sadd.s32 $0x10, s2;
	s25 =	smov.u32 s1;
	s1 =	sadd.s32 $0x40, s1  }
.Ltmp2:
0x54: {  	(pc) =	sbr.rel @p0 .LBB2_2-.Ltmp2, $4  }
0x55: {  	_ = 	snop  }
0x56: {  	s25 =	sand.u32 $0x3E00, s25  }
0x57: {  	s29 =	sand.u32 $0x70, s2;
	s25 =	sshrl.u32 s25, $0x2  }
0x58: {  	s25 =	sor.u32 s29, s25  }
0x59: {  	[tilespmem:s25+$0xA200] =	vst v0;
	s1 =	rddreg [dreg:$0xf]  }
0x5a: {  	[spmem:s13] =	stream.linear.scatter [tilespmem:s18], [sflag:$0x5], $0x1000, $0x38;
	[tilespmem:$0x1F200] =	vst v63  }
0x5b: {  	s9 =	rddreg [dreg:$0x10]  }
0x5c: {  	[spmem:s1] =	stream.linear.scatter [tilespmem:s18], [sflag:$0x5], $0x1000, $0x38;
	[tilespmem:$0x1F200] =	vst v63  }
0x5d: {  	s25 =	rddreg [dreg:$0x11]  }
0x5e: {  	[spmem:s9] =	stream.linear.scatter [tilespmem:s18], [sflag:$0x5], $0x1000, $0x38;
	[tilespmem:$0x1F200] =	vst v63  }
0x5f: {  	s2 =	rddreg [dreg:$0x12]  }
0x60: {  	[spmem:s25] =	stream.linear.scatter [tilespmem:s18], [sflag:$0x5], $0x1000, $0x38;
	[tilespmem:$0x1F200] =	vst v63  }
0x61: {  	s5 =	rddreg [dreg:$0x13]  }
0x62: {  	[spmem:s2] =	stream.linear.scatter [tilespmem:s18], [sflag:$0x5], $0x1000, $0x38;
	[tilespmem:$0x1F200] =	vst v63  }
0x63: {  	s6 =	rddreg [dreg:$0x18]  }
0x64: {  	[spmem:s5] =	stream.linear.scatter [tilespmem:s18], [sflag:$0x5], $0x1000, $0x38;
	[tilespmem:$0x1F200] =	vst v63  }
0x65: {  	s7 =	rddreg [dreg:$0x19]  }
0x66: {  	[spmem:s6] =	stream.linear.scatter [tilespmem:s18], [sflag:$0x5], $0x1000, $0x38;
	[tilespmem:$0x1F200] =	vst v63  }
0x67: {  	s8 =	rddreg [dreg:$0x1a]  }
0x68: {  	[spmem:s7] =	stream.linear.scatter [tilespmem:s18], [sflag:$0x5], $0x1000, $0x38;
	[tilespmem:$0x1F200] =	vst v63  }
0x69: {  	s9 =	rddreg [dreg:$0x1b]  }
0x6a: {  	[spmem:s8] =	stream.linear.scatter [tilespmem:s18], [sflag:$0x5], $0x1000, $0x38;
	[tilespmem:$0x1F200] =	vst v63  }
0x6b: {  	s25 =	rddreg [dreg:$0x1c]  }
0x6c: {  	[spmem:s9] =	stream.linear.scatter [tilespmem:s18], [sflag:$0x5], $0x1000, $0x38;
	[tilespmem:$0x1F200] =	vst v63  }
0x6d: {  	s2 =	rddreg [dreg:$0x1d]  }
0x6e: {  	[spmem:s25] =	stream.linear.scatter [tilespmem:s18], [sflag:$0x5], $0x1000, $0x38;
	[tilespmem:$0x1F200] =	vst v63  }
0x6f: {  	s5 =	rddreg [dreg:$0x1e]  }
0x70: {  	[spmem:s2] =	stream.linear.scatter [tilespmem:s18], [sflag:$0x5], $0x1000, $0x38;
	[tilespmem:$0x1F200] =	vst v63  }
0x71: {  	s6 =	rddreg [dreg:$0x1f]  }
0x72: {  	[spmem:s5] =	stream.linear.scatter [tilespmem:s18], [sflag:$0x5], $0x1000, $0x38;
	[tilespmem:$0x1F200] =	vst v63  }
0x73: {  	s7 =	sld [smem:$0x7FA]  }
0x74: {  	[spmem:s6] =	stream.linear.scatter [tilespmem:s18], [sflag:$0x5], $0x1000, $0x38;
	[tilespmem:$0x1F200] =	vst v63  }
0x75: {  	s8 =	sld [smem:$0x7FB]  }
0x76: {  	[spmem:s7] =	stream.linear.scatter [tilespmem:s18], [sflag:$0x5], $0x1000, $0x38;
	[tilespmem:$0x1F200] =	vst v63  }
0x77: {  	s9 =	sld [smem:$0x7FC]  }
0x78: {  	[spmem:s8] =	stream.linear.scatter [tilespmem:s18], [sflag:$0x5], $0x1000, $0x38;
	[tilespmem:$0x1F200] =	vst v63  }
0x79: {  	s25 =	sld [smem:$0x7FD]  }
0x7a: {  	[spmem:s9] =	stream.linear.scatter [tilespmem:s18], [sflag:$0x5], $0x1000, $0x38;
	[tilespmem:$0x1F200] =	vst v63  }
0x7b: {  	_ = 	snop  }
0x7c: {  	[spmem:s25] =	stream.linear.scatter [tilespmem:s18], [sflag:$0x5], $0x1000, $0x38;
	[tilespmem:$0x1F200] =	vst v63  }
0x7d: {  	_ = 	snop  }
0x7e: {  	[spmem:s10] =	stream.linear.scatter [tilespmem:s18], [sflag:$0x5], $0x1000, $0x38;
	[tilespmem:$0x1F200] =	vst v63  }
0x7f: {  	_ = 	snop  }
0x80: {  	[spmem:s11] =	stream.linear.scatter [tilespmem:s18], [sflag:$0x5], $0x1000, $0x38;
	[tilespmem:$0x1F200] =	vst v63  }
0x81: {  	_ =	swait.ge [sflag:s19], $0x1000  }
0x82: {  	[sflag:s19] =	ssyncset.done $0x0  }
0x83: {  	[sflag:s19] =	ssyncadd.s32 $0xFFFFF000  }
0x84: {  	_ =	swait.ge [sflag:s19], $0x1000  }
0x85: {  	[sflag:s19] =	ssyncset.done $0x0  }
0x86: {  	[sflag:s19] =	ssyncadd.s32 $0xFFFFF000  }
0x87: {  	_ =	swait.ge [sflag:s19], $0x1000  }
0x88: {  	[sflag:s19] =	ssyncset.done $0x0  }
0x89: {  	[sflag:s19] =	ssyncadd.s32 $0xFFFFF000  }
0x8a: {  	_ =	swait.ge [sflag:s19], $0x1000  }
0x8b: {  	[sflag:s19] =	ssyncset.done $0x0  }
0x8c: {  	[sflag:s19] =	ssyncadd.s32 $0xFFFFF000  }
0x8d: {  	_ =	swait.ge [sflag:s19], $0x1000  }
0x8e: {  	[sflag:s19] =	ssyncset.done $0x0  }
0x8f: {  	[sflag:s19] =	ssyncadd.s32 $0xFFFFF000  }
0x90: {  	_ =	swait.ge [sflag:s19], $0x1000  }
0x91: {  	[sflag:s19] =	ssyncset.done $0x0  }
0x92: {  	[sflag:s19] =	ssyncadd.s32 $0xFFFFF000  }
0x93: {  	_ =	swait.ge [sflag:s19], $0x1000  }
0x94: {  	[sflag:s19] =	ssyncset.done $0x0  }
0x95: {  	[sflag:s19] =	ssyncadd.s32 $0xFFFFF000  }
0x96: {  	_ =	swait.ge [sflag:s19], $0x1000  }
0x97: {  	[sflag:s19] =	ssyncset.done $0x0  }
0x98: {  	[sflag:s19] =	ssyncadd.s32 $0xFFFFF000  }
0x99: {  	_ =	swait.ge [sflag:s19], $0x1000  }
0x9a: {  	[sflag:s19] =	ssyncset.done $0x0  }
0x9b: {  	[sflag:s19] =	ssyncadd.s32 $0xFFFFF000  }
0x9c: {  	_ =	swait.ge [sflag:s19], $0x1000  }
0x9d: {  	[sflag:s19] =	ssyncset.done $0x0  }
0x9e: {  	[sflag:s19] =	ssyncadd.s32 $0xFFFFF000  }
0x9f: {  	_ =	swait.ge [sflag:s19], $0x1000  }
0xa0: {  	[sflag:s19] =	ssyncset.done $0x0  }
0xa1: {  	[sflag:s19] =	ssyncadd.s32 $0xFFFFF000  }
0xa2: {  	_ =	swait.ge [sflag:s19], $0x1000  }
0xa3: {  	[sflag:s19] =	ssyncset.done $0x0  }
0xa4: {  	[sflag:s19] =	ssyncadd.s32 $0xFFFFF000  }
0xa5: {  	_ =	swait.ge [sflag:s19], $0x1000  }
0xa6: {  	[sflag:s19] =	ssyncset.done $0x0  }
0xa7: {  	[sflag:s19] =	ssyncadd.s32 $0xFFFFF000  }
0xa8: {  	_ =	swait.ge [sflag:s19], $0x1000  }
0xa9: {  	[sflag:s19] =	ssyncset.done $0x0  }
0xaa: {  	[sflag:s19] =	ssyncadd.s32 $0xFFFFF000  }
0xab: {  	_ =	swait.ge [sflag:s19], $0x1000  }
0xac: {  	[sflag:s19] =	ssyncset.done $0x0  }
0xad: {  	[sflag:s19] =	ssyncadd.s32 $0xFFFFF000  }
0xae: {  	_ =	swait.ge [sflag:s19], $0x1000  }
0xaf: {  	[sflag:s19] =	ssyncset.done $0x0  }
0xb0: {  	[sflag:s19] =	ssyncadd.s32 $0xFFFFF000  }
0xb1: {  	_ =	swait.ge [sflag:s19], $0x1000  }
0xb2: {  	[sflag:s19] =	ssyncset.done $0x0  }
0xb3: {  	[sflag:s19] =	ssyncadd.s32 $0xFFFFF000  }
0xb4: {  	_ =	swait.ge [sflag:s19], $0x1000  }
0xb5: {  	[sflag:s19] =	ssyncset.done $0x0  }
0xb6: {  	[sflag:s19] =	ssyncadd.s32 $0xFFFFF000  }
0xb7: {  	_ =	swait.ge [sflag:s19], $0x1000  }
0xb8: {  	[sflag:s19] =	ssyncset.done $0x0  }
0xb9: {  	[sflag:s19] =	ssyncadd.s32 $0xFFFFF000  }
0xba: {  	_ =	swait.ge [sflag:s19], $0x1000  }
0xbb: {  	s29 =	rddreg [dreg:$0x17]  }
0xbc: {  	s30 =	rddreg [dreg:$0x16]  }
0xbd: {  	[sflag:s19] =	ssyncset.done $0x0;
	s31 =	rddreg [dreg:$0x15]  }
0xbe: {  	s25 =	simm.s32 $0x0;
	s1 =	rddreg [dreg:$0x14];
	[sflag:s19] =	ssyncadd.s32 $0xFFFFF000  }
.LBB2_4:
0xbf: {  	_ =	swait.ge [sflag:s20], $0x50  }
0xc0: {  	[sflag:s20] =	ssyncset.done $0x0  }
0xc1: {  	[sflag:s20] =	ssyncadd.s32 $0xFFFFFFB0  }
0xc2: {  	_ =	swait.ge [sflag:s20], $0x2800  }
0xc3: {  	[sflag:s20] =	ssyncset.done $0x0  }
0xc4: {  	[sflag:s20] =	ssyncadd.s32 $0xFFFFD800  }
0xc5: {  	[spmem:s3] =	stream.indirect.scatter.add.f32 [tilespmem:s12], [sflag:$0x6], $0x80, s4, s22, $0xb8;
	[tilespmem:$0x1F200] =	vst v63  }
0xc6: {  	_ =	swait.ge [sflag:s23], $0x2800  }
0xc7: {  	s2 =	sshrl.u32 s29, $0x3;
	[sflag:s23] =	ssyncset.done $0x0  }
0xc8: {  	s2 =	sadd.s32 s0, s2;
	[sflag:s23] =	ssyncadd.s32 $0xFFFFD800  }
0xc9: {  	[tilespmem:s4], [sflag:$0x1] =	stream.linear.gather [hbm4b:s2+s4], $0x50, $0x38;
	[tilespmem:$0x1F200] =	vst v63  }
0xca: {  	s2 =	sadd.s32 s25, s21  }
0xcb: {  	s5 =	sadd.s32 $0x1400, s2  }
0xcc: {  	[tilespmem:s12], [sflag:$0x1] =	stream.linear.gather [hbm4b:s5+s4], $0x2800, $0x38;
	[tilespmem:$0x1F200] =	vst v63  }
0xcd: {  	_ =	swait.ge [sflag:s26], $0x50  }
0xce: {  	[sflag:s26] =	ssyncset.done $0x0  }
0xcf: {  	[sflag:s26] =	ssyncadd.s32 $0xFFFFFFB0  }
0xd0: {  	_ =	swait.ge [sflag:s26], $0x2800  }
0xd1: {  	[sflag:s26] =	ssyncset.done $0x0  }
0xd2: {  	[sflag:s26] =	ssyncadd.s32 $0xFFFFD800  }
0xd3: {  	[spmem:s3] =	stream.indirect.scatter.add.f32 [tilespmem:s15], [sflag:$0x6], $0x80, s14, s22, $0xb8;
	[tilespmem:$0x1F200] =	vst v63  }
0xd4: {  	_ =	swait.ge [sflag:s23], $0x2800  }
0xd5: {  	p0 =	seq.s32 s25, $0x25800;
	[sflag:s23] =	ssyncset.done $0x0  }
0xd6: {  	s5 =	simm.s32 @p0 $0x3;
	[sflag:s23] =	ssyncadd.s32 $0xFFFFD800  }
0xd7: {  	_ =	swait.ge @p0 [sflag:s5], $0x50  }
0xd8: {  	[sflag:s5] =	ssyncset.done @p0 $0x0  }
0xd9: {  	[sflag:s5] =	ssyncadd.s32 @p0 $0xFFFFFFB0  }
0xda: {  	_ =	swait.ge @p0 [sflag:s5], $0x2800  }
0xdb: {  	s6 =	simm.s32 @p0 $0x100;
	[sflag:s5] =	ssyncset.done @p0 $0x0  }
0xdc: {  	s7 =	simm.s32 @p0 $0x5200;
	[sflag:s5] =	ssyncadd.s32 @p0 $0xFFFFD800;
	s5 =	simm.s32 @p0 $0x50  }
0xdd: {  	[spmem:s3] =	stream.indirect.scatter.add.f32 @p0 [tilespmem:s7], [sflag:$0x6], $0x80, s6, s5, $0xb8;
	[tilespmem:$0x1F200] =	vst v63  }
0xde: {  	s5 =	simm.s32 @p0 $0x6  }
0xdf: {  	_ =	swait.ge @p0 [sflag:s5], $0x2800  }
0xe0: {  	[sflag:s5] =	ssyncset.done @p0 $0x0  }
0xe1: {  	s6 =	simm.s32 @!p0 $0x80;
	[sflag:s5] =	ssyncadd.s32 @p0 $0xFFFFD800;
	s5 =	simm.s32 @!p0 $0x0  }
0xe2: {  	[tilespmem:s6], [sflag:$0x2] =	stream.linear.gather @!p0 [hbm4b:s30+s5], $0x50, $0x38;
	[tilespmem:$0x1F200] =	vst v63  }
0xe3: {  	s6 =	sadd.s32 @!p0 s25, s21  }
0xe4: {  	s8 =	simm.s32 @!p0 $0x2A00;
	s7 =	sadd.s32 @!p0 $0x1900, s6  }
0xe5: {  	[tilespmem:s8], [sflag:$0x2] =	stream.linear.gather @!p0 [hbm4b:s7+s5], $0x2800, $0x38;
	[tilespmem:$0x1F200] =	vst v63  }
0xe6: {  	s7 =	simm.s32 @!p0 $0x3  }
0xe7: {  	_ =	swait.ge @!p0 [sflag:s7], $0x50  }
0xe8: {  	[sflag:s7] =	ssyncset.done @!p0 $0x0  }
0xe9: {  	[sflag:s7] =	ssyncadd.s32 @!p0 $0xFFFFFFB0  }
0xea: {  	_ =	swait.ge @!p0 [sflag:s7], $0x2800  }
0xeb: {  	s9 =	simm.s32 @!p0 $0x5200;
	[sflag:s7] =	ssyncset.done @!p0 $0x0  }
0xec: {  	s8 =	simm.s32 @!p0 $0x100;
	[sflag:s7] =	ssyncadd.s32 @!p0 $0xFFFFD800;
	s7 =	simm.s32 @!p0 $0x50  }
0xed: {  	[spmem:s3] =	stream.indirect.scatter.add.f32 @!p0 [tilespmem:s9], [sflag:$0x6], $0x80, s8, s7, $0xb8;
	[tilespmem:$0x1F200] =	vst v63  }
0xee: {  	s7 =	simm.s32 @!p0 $0x6  }
0xef: {  	_ =	swait.ge @!p0 [sflag:s7], $0x2800  }
0xf0: {  	[sflag:s7] =	ssyncset.done @!p0 $0x0  }
0xf1: {  	[sflag:s7] =	ssyncadd.s32 @!p0 $0xFFFFD800  }
0xf2: {  	[tilespmem:s8], [sflag:$0x3] =	stream.linear.gather @!p0 [hbm4b:s31+s5], $0x50, $0x38;
	[tilespmem:$0x1F200] =	vst v63  }
0xf3: {  	s6 =	sadd.s32 @!p0 $0x1E00, s6  }
0xf4: {  	[tilespmem:s9], [sflag:$0x3] =	stream.linear.gather @!p0 [hbm4b:s6+s5], $0x2800, $0x38;
	[tilespmem:$0x1F200] =	vst v63  }
0xf5: {  	_ =	swait.ge [sflag:s24], $0x50  }
0xf6: {  	[sflag:s24] =	ssyncset.done $0x0  }
0xf7: {  	[sflag:s24] =	ssyncadd.s32 $0xFFFFFFB0  }
0xf8: {  	_ =	swait.ge [sflag:s24], $0x2800  }
0xf9: {  	[sflag:s24] =	ssyncset.done $0x0  }
.Ltmp3:
0xfa: {  	[sflag:s24] =	ssyncadd.s32 $0xFFFFD800;
	(pc) =	sbr.rel @p0 .LBB2_6-.Ltmp3, $4  }
0xfb: {  	[spmem:s3] =	stream.indirect.scatter.add.f32 [tilespmem:s17], [sflag:$0x6], $0x80, s16, s22, $0xb8;
	[tilespmem:$0x1F200] =	vst v63  }
0xfc: {  	_ =	swait.ge [sflag:s23], $0x2800  }
0xfd: {  	[sflag:s23] =	ssyncset.done $0x0  }
0xfe: {  	[sflag:s23] =	ssyncadd.s32 $0xFFFFD800  }
.Ltmp4:
0xff: {  	(pc) =	sbr.rel .LBB2_4-.Ltmp4, $4  }
0x100: {  	[tilespmem:s16], [sflag:$0x4] =	stream.linear.gather [hbm4b:s1+s4], $0x50, $0x38;
	[tilespmem:$0x1F200] =	vst v63  }
0x101: {  	s2 =	sadd.s32 $0x2300, s2;
	s25 =	sadd.s32 $0x1400, s25;
	s1 =	sadd.s32 $0x28, s1  }
0x102: {  	s31 =	sadd.s32 $0x28, s31;
	s30 =	sadd.s32 $0x28, s30;
	s29 =	sadd.s32 $0x140, s29  }
0x103: {  	[tilespmem:s17], [sflag:$0x4] =	stream.linear.gather [hbm4b:s2+s4], $0x2800, $0x38;
	[tilespmem:$0x1F200] =	vst v63  }
.LBB2_7:
0x104: {  	_ =	sfence.sel $0x180000  }
0x105: {  	[bflag:$0x0] =	sbarrier.arrive $0xFFFF  }
0x106: {  	_ =	strace $0x90000047  }
0x107: {  	s0 =	stileid.u32;
	[bflag:$0x2] =	sbarrier.arrive $0xFFFF  }
0x108: {  	p0 =	sne.s32 s0, $0x0;
	s0 =	rddreg [dreg:$0x4]  }
0x109: {  	s0 =	sadd.s32 @!p0 $0x100000, s0  }
0x10a: {  	[sflag:s0] =	ssyncadd.tile.s32 @!p0 $0x1;
	_ =	shalt  }
.Lfunc_end2:
_tile_overlayer_lowered:
.L_overlay_start_2:
0x10b: {  	(tag) =	ssettag $0x2  }
0x10c: {  	s0 =	rddreg [dreg:$0x0];
	s2 =	stileid.u32  }
0x10d: {  	s1 =	rddreg [dreg:$0x1];
	p0 =	sne.s32 s2, $0x0  }
0x10e: {  	s3 =	rddreg [dreg:$0x2];
	[bflag:$0x3] =	sbarrier.arrive $0xFFFF;
	s2 =	simm.s32 @!p0 $0x1C06  }
0x10f: {  	[timem:s3], [sflag:s2] =	dma.local @!p0 [hbm:s0], s1  }
0x110: {  	s0 =	simm.s32 @!p0 $0x6  }
0x111: {  	_ =	swait.ge @!p0 [sflag:s0], s1  }
0x112: {  	s1 =	ssub.s32 @!p0 $0x0, s1;
	[sflag:s0] =	ssyncset.done @!p0 $0x0  }
0x113: {  	[sflag:s0] =	ssyncadd.s32 @!p0 s1  }
0x114: {  	[bflag:$0x3] =	sbarrier.arrive $0xFFFF  }
0x115: {  	_ =	shalt  }

</sc_bundles>
